<compile_context>
chip_gen: v7x
topology: tpu7x:2x2x1
jax: 0.10.2.dev20260603
libtpu: 0.0.44.dev20260713+nightly
codegen_flags: <defaults>
</compile_context>

<pallas_src>
import functools

import jax
import jax.numpy as jnp
from jax import lax
from jax.experimental import pallas as pl
from jax.experimental.pallas import tpu as pltpu
from jax.experimental.pallas import tpu_sc as plsc

N = 10000
D = 256
H = 128
E = 160000
NC = 2
NS = 16
C = 256
CH = 40
EPT = C * CH
E_PAD = EPT * NS
NPAD = 112
NROW = N + NPAD
RPT = NROW // NS
FULLZ = RPT // C
REMZ = RPT - FULLZ * C
BN = 2000


def _sc_agg_body(with_cnt, *refs):
    if with_cnt:
        (hflat, sdp, zrows, z16, o16, agg, cnt,
         acc, cacc, sda, rows, ones, semg) = refs
    else:
        (hflat, sdp, zrows, agg,
         acc, sda, rows, semg) = refs
    cid = lax.axis_index("c")
    sid = lax.axis_index("s")
    base = sid * RPT

    pltpu.sync_copy(zrows, rows)
    for k in range(FULLZ):
        pltpu.sync_copy(rows, acc.at[pl.ds(base + k * C, C)])
    pltpu.sync_copy(rows.at[pl.ds(0, REMZ)],
                    acc.at[pl.ds(base + FULLZ * C, REMZ)])
    if with_cnt:
        pltpu.sync_copy(z16, ones)
        for k in range(FULLZ):
            pltpu.sync_copy(ones, cacc.at[pl.ds(base + k * C, C)])
        pltpu.sync_copy(ones.at[pl.ds(0, REMZ)],
                        cacc.at[pl.ds(base + FULLZ * C, REMZ)])
        pltpu.sync_copy(o16, ones)

    plsc.subcore_barrier()

    def chunk(j, carry):
        pltpu.sync_copy(sdp.at[sid, j], sda)
        if with_cnt:
            for k in range(C // 16):
                sl = pl.ds(k * 16, 16)
                sda[0, sl] = sda[0, sl] * 2 + cid
            pltpu.async_copy(hflat.at[sda.at[0]], rows, semg).wait()
        else:
            pltpu.async_copy(hflat.at[cid].at[sda.at[0]], rows, semg).wait()
        pltpu.sync_copy(rows, acc.at[sda.at[1]], add=True)
        if with_cnt:
            @pl.when((j < CH // 2) == (cid == 0))
            def _():
                pltpu.sync_copy(ones, cacc.at[sda.at[1]], add=True)
        return carry

    lax.fori_loop(0, CH, chunk, 0)

    plsc.subcore_barrier()
    pltpu.sync_copy(acc.at[pl.ds(base, RPT)], agg.at[cid, pl.ds(base, RPT)])
    if with_cnt:
        pltpu.sync_copy(cacc.at[pl.ds(base, RPT)],
                        cnt.at[cid, pl.ds(base, RPT)])


def _make_sc_agg(with_cnt):
    mesh = plsc.VectorSubcoreMesh(core_axis_name="c", subcore_axis_name="s",
                                  num_cores=NC, num_subcores=NS)
    out_type = (jax.ShapeDtypeStruct((NC, NROW, H), jnp.float32),)
    scratch = [
        pltpu.VMEM_SHARED((NROW, H), jnp.float32),
    ]
    if with_cnt:
        out_type = out_type + (
            jax.ShapeDtypeStruct((NC, NROW, 16), jnp.float32),)
        scratch.append(pltpu.VMEM_SHARED((NROW, 16), jnp.float32))
    scratch += [
        pltpu.VMEM((2, C), jnp.int32),
        pltpu.VMEM((C, H), jnp.float32),
    ]
    if with_cnt:
        scratch.append(pltpu.VMEM((C, 16), jnp.float32))
    scratch.append(pltpu.SemaphoreType.DMA)
    return pl.kernel(functools.partial(_sc_agg_body, with_cnt),
                     out_type=out_type, mesh=mesh, scratch_types=scratch,
                     compiler_params=pltpu.CompilerParams(
                         use_tc_tiling_on_sc=False))


_sc_agg_l1 = _make_sc_agg(True)
_sc_agg_l2 = _make_sc_agg(False)


def _tc_self_body(h_ref, wr_ref, b_ref, o_ref):
    o_ref[...] = jnp.dot(h_ref[...], wr_ref[...],
                         preferred_element_type=jnp.float32) + b_ref[...]


def _tc_self(h, Wr, bl):
    return pl.pallas_call(
        _tc_self_body,
        grid=(N // BN,),
        in_specs=[
            pl.BlockSpec((BN, D), lambda i: (i, 0)),
            pl.BlockSpec((D, D), lambda i: (0, 0)),
            pl.BlockSpec((1, D), lambda i: (0, 0)),
        ],
        out_specs=pl.BlockSpec((BN, D), lambda i: (i, 0)),
        out_shape=jax.ShapeDtypeStruct((N, D), jnp.float32),
    )(h, Wr.T, bl.reshape(1, D))


def _tc_self2_body(h2_ref, wra_ref, wrb_ref, b_ref, o_ref):
    acc = jnp.dot(h2_ref[0], wra_ref[...], preferred_element_type=jnp.float32)
    acc += jnp.dot(h2_ref[1], wrb_ref[...], preferred_element_type=jnp.float32)
    o_ref[...] = acc + b_ref[...]


def _tc_self2(h2, Wr, bl):
    return pl.pallas_call(
        _tc_self2_body,
        grid=(N // BN,),
        in_specs=[
            pl.BlockSpec((NC, BN, H), lambda i: (0, i, 0)),
            pl.BlockSpec((H, D), lambda i: (0, 0)),
            pl.BlockSpec((H, D), lambda i: (0, 0)),
            pl.BlockSpec((1, D), lambda i: (0, 0)),
        ],
        out_specs=pl.BlockSpec((BN, D), lambda i: (i, 0)),
        out_shape=jax.ShapeDtypeStruct((N, D), jnp.float32),
    )(h2, Wr[:, :H].T, Wr[:, H:].T, bl.reshape(1, D))


def _tc_combine_body(split, a_ref, c_ref, s_ref, wla_ref, wlb_ref, o_ref):
    r = 1.0 / jnp.maximum(c_ref[0, :, 0:1] + c_ref[1, :, 0:1], 1.0)
    acc = jnp.dot(a_ref[0] * r, wla_ref[...],
                  preferred_element_type=jnp.float32)
    acc += jnp.dot(a_ref[1] * r, wlb_ref[...],
                   preferred_element_type=jnp.float32)
    acc += s_ref[...]
    if split:
        h = jnp.maximum(acc, 0.0)
        o_ref[0] = h[:, :H]
        o_ref[1] = h[:, H:]
    else:
        o_ref[...] = acc


def _tc_combine(agg, cnt, s, Wl, split):
    if split:
        out_shape = jax.ShapeDtypeStruct((NC, N, H), jnp.float32)
        out_specs = pl.BlockSpec((NC, BN, H), lambda i: (0, i, 0))
    else:
        out_shape = jax.ShapeDtypeStruct((N, D), jnp.float32)
        out_specs = pl.BlockSpec((BN, D), lambda i: (i, 0))
    return pl.pallas_call(
        functools.partial(_tc_combine_body, split),
        grid=(N // BN,),
        in_specs=[
            pl.BlockSpec((NC, BN, H), lambda i: (0, i, 0)),
            pl.BlockSpec((NC, BN, 16), lambda i: (0, i, 0)),
            pl.BlockSpec((BN, D), lambda i: (i, 0)),
            pl.BlockSpec((H, D), lambda i: (0, 0)),
            pl.BlockSpec((H, D), lambda i: (0, 0)),
        ],
        out_specs=out_specs,
        out_shape=out_shape,
    )(agg, cnt, s, Wl[:, :H].T, Wl[:, H:].T)


def kernel(x, edge_index, W1l, b1l, W1r, W2l, b2l, W2r):
    src = edge_index[0].astype(jnp.int32)
    dst = edge_index[1].astype(jnp.int32)
    npad_e = E_PAD - E
    pad = jnp.arange(npad_e, dtype=jnp.int32)
    src_p = jnp.concatenate([src, pad])
    dst_p = jnp.concatenate([dst, N + (pad & 63)])
    sdp = jnp.stack([src_p.reshape(NS, CH, C), dst_p.reshape(NS, CH, C)],
                    axis=2)
    zrows = jnp.zeros((C, H), jnp.float32)
    z16 = jnp.zeros((C, 16), jnp.float32)
    o16 = jnp.ones((C, 16), jnp.float32)

    agg1, cnt = _sc_agg_l1(x.reshape(2 * N, H), sdp, zrows, z16, o16)
    s1 = _tc_self(x, W1r, b1l)
    h2 = _tc_combine(agg1, cnt, s1, W1l, split=True)
    (agg2,) = _sc_agg_l2(h2, sdp, zrows)
    s2 = _tc_self2(h2, W2r, b2l)
    out = _tc_combine(agg2, cnt, s2, W2l, split=False)
    return out

# --- scband reference (transcript-rebuilt; emitter-appended) ---
"""Pipeline reference for scband-graph-sage-55662776156307 (READ-ONLY COPY).

The authoritative reference and input builder live on the scoring server;
editing this copy changes nothing except your own understanding.
"""

import jax, jax.numpy as jnp
import numpy as np

N_NODES = 10000
N_EDGES = 160000
D = 256


def setup_inputs(seed: int = 0) -> dict:
    key = jax.random.key(seed)
    ks = jax.random.split(key, 8)
    x = jax.random.normal(ks[0], (N_NODES, D), dtype=jnp.float32)
    edge_index = jax.random.randint(ks[1], (2, N_EDGES), 0, N_NODES)
    # SAGEConv params (PyG convention): lin_l applied to aggregated neighbors (with bias),
    # lin_r applied to root/self features (no bias).
    scale = 1.0 / np.sqrt(D)
    W1l = jax.random.normal(ks[2], (D, D), dtype=jnp.float32) * scale
    b1l = jnp.zeros((D,), dtype=jnp.float32)
    W1r = jax.random.normal(ks[3], (D, D), dtype=jnp.float32) * scale
    W2l = jax.random.normal(ks[4], (D, D), dtype=jnp.float32) * scale
    b2l = jnp.zeros((D,), dtype=jnp.float32)
    W2r = jax.random.normal(ks[5], (D, D), dtype=jnp.float32) * scale
    return {"x": x, "edge_index": edge_index, "W1l": W1l, "b1l": b1l, "W1r": W1r,
            "W2l": W2l, "b2l": b2l, "W2r": W2r}


def _sage_conv(h, edge_index, Wl, bl, Wr):
    # PyG SAGEConv, aggr='mean': out = lin_l(mean_{j in N(i)} x_j) + lin_r(x_i)
    n = h.shape[0]
    src = edge_index[0]
    dst = edge_index[1]
    msg = jnp.take(h, src, axis=0)                                  # gather [E, D]
    agg = jax.ops.segment_sum(msg, dst, num_segments=n)             # scatter-add [N, D]
    cnt = jax.ops.segment_sum(jnp.ones((edge_index.shape[1],), dtype=h.dtype), dst, num_segments=n)
    mean = agg / jnp.clip(cnt, 1.0)[:, None]
    return mean @ Wl.T + bl + h @ Wr.T


def reference(x, edge_index, W1l, b1l, W1r, W2l, b2l, W2r):
    # GraphSAGE forward, num_layers=2, batch=None. Dropout is identity in eval mode.
    h = _sage_conv(x, edge_index, W1l, b1l, W1r)
    h = jax.nn.relu(h)
    out = _sage_conv(h, edge_index, W2l, b2l, W2r)
    return out

if __name__ == "__main__":
    import jax
    _d = setup_inputs()
    print(jax.jit(kernel)(*tuple(_d.values())))

</pallas_src>

<mosaic_0001>
#map = affine_map<(d0, d1) -> (0, 0)>
#map1 = affine_map<(d0, d1) -> (0, 0, 0, 0)>
#map2 = affine_map<(d0, d1) -> (0, 0, 0)>
module attributes {stable_mosaic.version = 14 : i64} {
  func.func @_sc_agg_body(%arg0: i32, %arg1: i32, %arg2: memref<20000x128xf32, #tpu.memory_space<hbm>>, %arg3: memref<16x40x2x256xi32, #tpu.memory_space<hbm>>, %arg4: memref<256x128xf32, #tpu.memory_space<hbm>>, %arg5: memref<256x16xf32, #tpu.memory_space<hbm>>, %arg6: memref<256x16xf32, #tpu.memory_space<hbm>>, %arg7: memref<2x10112x128xf32, #tpu.memory_space<hbm>>, %arg8: memref<2x10112x16xf32, #tpu.memory_space<hbm>>, %arg9: memref<10112x128xf32, #tpu.memory_space<vmem_shared>>, %arg10: memref<10112x16xf32, #tpu.memory_space<vmem_shared>>, %arg11: memref<2x256xi32, #tpu.memory_space<vmem>>, %arg12: memref<256x128xf32, #tpu.memory_space<vmem>>, %arg13: memref<256x16xf32, #tpu.memory_space<vmem>>, %arg14: memref<!tpu.dma_semaphore, #tpu.memory_space<semaphore_mem>>) attributes {dimension_semantics = [#tpu.dimension_semantics<core_parallel>, #tpu.dimension_semantics<subcore_parallel>], iteration_bounds = array<i64: 2, 16>, scalar_prefetch = 0 : i64, scratch_operands = 6 : i64, tpu.core_type = #tpu.core_type<sc_vector_subcore>, window_params = [{transform_indices = #map}, {transform_indices = #map1}, {transform_indices = #map}, {transform_indices = #map}, {transform_indices = #map}, {transform_indices = #map2}, {transform_indices = #map2}]} {
    %mul3A = arith.constant 632 : i32
    %mul3A_0 = arith.muli %arg1, %mul3A : i32
    "tpu.region"() ({
      %run_scoped3A = tpu.sem_alloc : memref<!tpu.dma_semaphore, #tpu.memory_space<semaphore_mem>>
      tpu.enqueue_dma source(%arg4 : memref<256x128xf32, #tpu.memory_space<hbm>>) target(%arg12 : memref<256x128xf32, #tpu.memory_space<vmem>>) target_semaphore(%run_scoped3A : memref<!tpu.dma_semaphore, #tpu.memory_space<semaphore_mem>>)
      tpu.wait_dma2 semaphore(%run_scoped3A : memref<!tpu.dma_semaphore, #tpu.memory_space<semaphore_mem>>) src(%arg4 : memref<256x128xf32, #tpu.memory_space<hbm>>) dst(%arg12 : memref<256x128xf32, #tpu.memory_space<vmem>>)
      tpu.yield
    }) : () -> ()
    %add3A = arith.constant 0 : i32
    %add3A_1 = arith.addi %mul3A_0, %add3A : i32
    "tpu.region"() ({
      %run_scoped3A = tpu.sem_alloc : memref<!tpu.dma_semaphore, #tpu.memory_space<semaphore_mem>>
      %dma_start3A = arith.constant 0 : i32
      %dma_start3A_18 = tpu.memref_slice %arg9[%add3A_1, %dma_start3A] : memref<10112x128xf32, #tpu.memory_space<vmem_shared>> -> memref<256x128xf32, #tpu.memory_space<vmem_shared>>
      %dma_start3A_19 = arith.constant 0 : i32
      %dma_start3A_20 = tpu.memref_slice %arg9[%add3A_1, %dma_start3A_19] : memref<10112x128xf32, #tpu.memory_space<vmem_shared>> -> memref<256x128xf32, #tpu.memory_space<vmem_shared>>
      tpu.enqueue_dma source(%arg12 : memref<256x128xf32, #tpu.memory_space<vmem>>) target(%dma_start3A_20 : memref<256x128xf32, #tpu.memory_space<vmem_shared>>) target_semaphore(%run_scoped3A : memref<!tpu.dma_semaphore, #tpu.memory_space<semaphore_mem>>)
      %dma_wait3A = arith.constant 0 : i32
      %dma_wait3A_21 = tpu.memref_slice %arg9[%add3A_1, %dma_wait3A] : memref<10112x128xf32, #tpu.memory_space<vmem_shared>> -> memref<256x128xf32, #tpu.memory_space<vmem_shared>>
      %dma_wait3A_22 = arith.constant 0 : i32
      %dma_wait3A_23 = tpu.memref_slice %arg9[%add3A_1, %dma_wait3A_22] : memref<10112x128xf32, #tpu.memory_space<vmem_shared>> -> memref<256x128xf32, #tpu.memory_space<vmem_shared>>
      tpu.wait_dma2 semaphore(%run_scoped3A : memref<!tpu.dma_semaphore, #tpu.memory_space<semaphore_mem>>) src(%arg12 : memref<256x128xf32, #tpu.memory_space<vmem>>) dst(%dma_wait3A_23 : memref<256x128xf32, #tpu.memory_space<vmem_shared>>)
      tpu.yield
    }) : () -> ()
    %add3A_2 = arith.constant 256 : i32
    %add3A_3 = arith.addi %mul3A_0, %add3A_2 : i32
    "tpu.region"() ({
      %run_scoped3A = tpu.sem_alloc : memref<!tpu.dma_semaphore, #tpu.memory_space<semaphore_mem>>
      %dma_start3A = arith.constant 0 : i32
      %dma_start3A_18 = tpu.memref_slice %arg9[%add3A_3, %dma_start3A] : memref<10112x128xf32, #tpu.memory_space<vmem_shared>> -> memref<256x128xf32, #tpu.memory_space<vmem_shared>>
      %dma_start3A_19 = arith.constant 0 : i32
      %dma_start3A_20 = tpu.memref_slice %arg9[%add3A_3, %dma_start3A_19] : memref<10112x128xf32, #tpu.memory_space<vmem_shared>> -> memref<256x128xf32, #tpu.memory_space<vmem_shared>>
      tpu.enqueue_dma source(%arg12 : memref<256x128xf32, #tpu.memory_space<vmem>>) target(%dma_start3A_20 : memref<256x128xf32, #tpu.memory_space<vmem_shared>>) target_semaphore(%run_scoped3A : memref<!tpu.dma_semaphore, #tpu.memory_space<semaphore_mem>>)
      %dma_wait3A = arith.constant 0 : i32
      %dma_wait3A_21 = tpu.memref_slice %arg9[%add3A_3, %dma_wait3A] : memref<10112x128xf32, #tpu.memory_space<vmem_shared>> -> memref<256x128xf32, #tpu.memory_space<vmem_shared>>
      %dma_wait3A_22 = arith.constant 0 : i32
      %dma_wait3A_23 = tpu.memref_slice %arg9[%add3A_3, %dma_wait3A_22] : memref<10112x128xf32, #tpu.memory_space<vmem_shared>> -> memref<256x128xf32, #tpu.memory_space<vmem_shared>>
      tpu.wait_dma2 semaphore(%run_scoped3A : memref<!tpu.dma_semaphore, #tpu.memory_space<semaphore_mem>>) src(%arg12 : memref<256x128xf32, #tpu.memory_space<vmem>>) dst(%dma_wait3A_23 : memref<256x128xf32, #tpu.memory_space<vmem_shared>>)
      tpu.yield
    }) : () -> ()
    %add3A_4 = arith.constant 512 : i32
    %add3A_5 = arith.addi %mul3A_0, %add3A_4 : i32
    "tpu.region"() ({
      %run_scoped3A = tpu.sem_alloc : memref<!tpu.dma_semaphore, #tpu.memory_space<semaphore_mem>>
      %dma_start3A = arith.constant 0 : i32
      %dma_start3A_18 = arith.constant 0 : i32
      %dma_start3A_19 = tpu.memref_slice %arg12[%dma_start3A, %dma_start3A_18] : memref<256x128xf32, #tpu.memory_space<vmem>> -> memref<120x128xf32, #tpu.memory_space<vmem>>
      %dma_start3A_20 = arith.constant 0 : i32
      %dma_start3A_21 = tpu.memref_slice %arg9[%add3A_5, %dma_start3A_20] : memref<10112x128xf32, #tpu.memory_space<vmem_shared>> -> memref<120x128xf32, #tpu.memory_space<vmem_shared>>
      %dma_start3A_22 = arith.constant 0 : i32
      %dma_start3A_23 = tpu.memref_slice %arg9[%add3A_5, %dma_start3A_22] : memref<10112x128xf32, #tpu.memory_space<vmem_shared>> -> memref<120x128xf32, #tpu.memory_space<vmem_shared>>
      %dma_start3A_24 = arith.constant 0 : i32
      %dma_start3A_25 = arith.constant 0 : i32
      %dma_start3A_26 = tpu.memref_slice %arg12[%dma_start3A_24, %dma_start3A_25] : memref<256x128xf32, #tpu.memory_space<vmem>> -> memref<120x128xf32, #tpu.memory_space<vmem>>
      tpu.enqueue_dma source(%dma_start3A_26 : memref<120x128xf32, #tpu.memory_space<vmem>>) target(%dma_start3A_23 : memref<120x128xf32, #tpu.memory_space<vmem_shared>>) target_semaphore(%run_scoped3A : memref<!tpu.dma_semaphore, #tpu.memory_space<semaphore_mem>>)
      %dma_wait3A = arith.constant 0 : i32
      %dma_wait3A_27 = arith.constant 0 : i32
      %dma_wait3A_28 = tpu.memref_slice %arg12[%dma_wait3A, %dma_wait3A_27] : memref<256x128xf32, #tpu.memory_space<vmem>> -> memref<120x128xf32, #tpu.memory_space<vmem>>
      %dma_wait3A_29 = arith.constant 0 : i32
      %dma_wait3A_30 = tpu.memref_slice %arg9[%add3A_5, %dma_wait3A_29] : memref<10112x128xf32, #tpu.memory_space<vmem_shared>> -> memref<120x128xf32, #tpu.memory_space<vmem_shared>>
      %dma_wait3A_31 = arith.constant 0 : i32
      %dma_wait3A_32 = tpu.memref_slice %arg9[%add3A_5, %dma_wait3A_31] : memref<10112x128xf32, #tpu.memory_space<vmem_shared>> -> memref<120x128xf32, #tpu.memory_space<vmem_shared>>
      %dma_wait3A_33 = arith.constant 0 : i32
      %dma_wait3A_34 = arith.constant 0 : i32
      %dma_wait3A_35 = tpu.memref_slice %arg12[%dma_wait3A_33, %dma_wait3A_34] : memref<256x128xf32, #tpu.memory_space<vmem>> -> memref<120x128xf32, #tpu.memory_space<vmem>>
      tpu.wait_dma2 semaphore(%run_scoped3A : memref<!tpu.dma_semaphore, #tpu.memory_space<semaphore_mem>>) src(%dma_wait3A_35 : memref<120x128xf32, #tpu.memory_space<vmem>>) dst(%dma_wait3A_32 : memref<120x128xf32, #tpu.memory_space<vmem_shared>>)
      tpu.yield
    }) : () -> ()
    "tpu.region"() ({
      %run_scoped3A = tpu.sem_alloc : memref<!tpu.dma_semaphore, #tpu.memory_space<semaphore_mem>>
      tpu.enqueue_dma source(%arg5 : memref<256x16xf32, #tpu.memory_space<hbm>>) target(%arg13 : memref<256x16xf32, #tpu.memory_space<vmem>>) target_semaphore(%run_scoped3A : memref<!tpu.dma_semaphore, #tpu.memory_space<semaphore_mem>>)
      tpu.wait_dma2 semaphore(%run_scoped3A : memref<!tpu.dma_semaphore, #tpu.memory_space<semaphore_mem>>) src(%arg5 : memref<256x16xf32, #tpu.memory_space<hbm>>) dst(%arg13 : memref<256x16xf32, #tpu.memory_space<vmem>>)
      tpu.yield
    }) : () -> ()
    %add3A_6 = arith.constant 0 : i32
    %add3A_7 = arith.addi %mul3A_0, %add3A_6 : i32
    "tpu.region"() ({
      %run_scoped3A = tpu.sem_alloc : memref<!tpu.dma_semaphore, #tpu.memory_space<semaphore_mem>>
      %dma_start3A = arith.constant 0 : i32
      %dma_start3A_18 = tpu.memref_slice %arg10[%add3A_7, %dma_start3A] : memref<10112x16xf32, #tpu.memory_space<vmem_shared>> -> memref<256x16xf32, #tpu.memory_space<vmem_shared>>
      %dma_start3A_19 = arith.constant 0 : i32
      %dma_start3A_20 = tpu.memref_slice %arg10[%add3A_7, %dma_start3A_19] : memref<10112x16xf32, #tpu.memory_space<vmem_shared>> -> memref<256x16xf32, #tpu.memory_space<vmem_shared>>
      tpu.enqueue_dma source(%arg13 : memref<256x16xf32, #tpu.memory_space<vmem>>) target(%dma_start3A_20 : memref<256x16xf32, #tpu.memory_space<vmem_shared>>) target_semaphore(%run_scoped3A : memref<!tpu.dma_semaphore, #tpu.memory_space<semaphore_mem>>)
      %dma_wait3A = arith.constant 0 : i32
      %dma_wait3A_21 = tpu.memref_slice %arg10[%add3A_7, %dma_wait3A] : memref<10112x16xf32, #tpu.memory_space<vmem_shared>> -> memref<256x16xf32, #tpu.memory_space<vmem_shared>>
      %dma_wait3A_22 = arith.constant 0 : i32
      %dma_wait3A_23 = tpu.memref_slice %arg10[%add3A_7, %dma_wait3A_22] : memref<10112x16xf32, #tpu.memory_space<vmem_shared>> -> memref<256x16xf32, #tpu.memory_space<vmem_shared>>
      tpu.wait_dma2 semaphore(%run_scoped3A : memref<!tpu.dma_semaphore, #tpu.memory_space<semaphore_mem>>) src(%arg13 : memref<256x16xf32, #tpu.memory_space<vmem>>) dst(%dma_wait3A_23 : memref<256x16xf32, #tpu.memory_space<vmem_shared>>)
      tpu.yield
    }) : () -> ()
    %add3A_8 = arith.constant 256 : i32
    %add3A_9 = arith.addi %mul3A_0, %add3A_8 : i32
    "tpu.region"() ({
      %run_scoped3A = tpu.sem_alloc : memref<!tpu.dma_semaphore, #tpu.memory_space<semaphore_mem>>
      %dma_start3A = arith.constant 0 : i32
      %dma_start3A_18 = tpu.memref_slice %arg10[%add3A_9, %dma_start3A] : memref<10112x16xf32, #tpu.memory_space<vmem_shared>> -> memref<256x16xf32, #tpu.memory_space<vmem_shared>>
      %dma_start3A_19 = arith.constant 0 : i32
      %dma_start3A_20 = tpu.memref_slice %arg10[%add3A_9, %dma_start3A_19] : memref<10112x16xf32, #tpu.memory_space<vmem_shared>> -> memref<256x16xf32, #tpu.memory_space<vmem_shared>>
      tpu.enqueue_dma source(%arg13 : memref<256x16xf32, #tpu.memory_space<vmem>>) target(%dma_start3A_20 : memref<256x16xf32, #tpu.memory_space<vmem_shared>>) target_semaphore(%run_scoped3A : memref<!tpu.dma_semaphore, #tpu.memory_space<semaphore_mem>>)
      %dma_wait3A = arith.constant 0 : i32
      %dma_wait3A_21 = tpu.memref_slice %arg10[%add3A_9, %dma_wait3A] : memref<10112x16xf32, #tpu.memory_space<vmem_shared>> -> memref<256x16xf32, #tpu.memory_space<vmem_shared>>
      %dma_wait3A_22 = arith.constant 0 : i32
      %dma_wait3A_23 = tpu.memref_slice %arg10[%add3A_9, %dma_wait3A_22] : memref<10112x16xf32, #tpu.memory_space<vmem_shared>> -> memref<256x16xf32, #tpu.memory_space<vmem_shared>>
      tpu.wait_dma2 semaphore(%run_scoped3A : memref<!tpu.dma_semaphore, #tpu.memory_space<semaphore_mem>>) src(%arg13 : memref<256x16xf32, #tpu.memory_space<vmem>>) dst(%dma_wait3A_23 : memref<256x16xf32, #tpu.memory_space<vmem_shared>>)
      tpu.yield
    }) : () -> ()
    %add3A_10 = arith.constant 512 : i32
    %add3A_11 = arith.addi %mul3A_0, %add3A_10 : i32
    "tpu.region"() ({
      %run_scoped3A = tpu.sem_alloc : memref<!tpu.dma_semaphore, #tpu.memory_space<semaphore_mem>>
      %dma_start3A = arith.constant 0 : i32
      %dma_start3A_18 = arith.constant 0 : i32
      %dma_start3A_19 = tpu.memref_slice %arg13[%dma_start3A, %dma_start3A_18] : memref<256x16xf32, #tpu.memory_space<vmem>> -> memref<120x16xf32, #tpu.memory_space<vmem>>
      %dma_start3A_20 = arith.constant 0 : i32
      %dma_start3A_21 = tpu.memref_slice %arg10[%add3A_11, %dma_start3A_20] : memref<10112x16xf32, #tpu.memory_space<vmem_shared>> -> memref<120x16xf32, #tpu.memory_space<vmem_shared>>
      %dma_start3A_22 = arith.constant 0 : i32
      %dma_start3A_23 = tpu.memref_slice %arg10[%add3A_11, %dma_start3A_22] : memref<10112x16xf32, #tpu.memory_space<vmem_shared>> -> memref<120x16xf32, #tpu.memory_space<vmem_shared>>
      %dma_start3A_24 = arith.constant 0 : i32
      %dma_start3A_25 = arith.constant 0 : i32
      %dma_start3A_26 = tpu.memref_slice %arg13[%dma_start3A_24, %dma_start3A_25] : memref<256x16xf32, #tpu.memory_space<vmem>> -> memref<120x16xf32, #tpu.memory_space<vmem>>
      tpu.enqueue_dma source(%dma_start3A_26 : memref<120x16xf32, #tpu.memory_space<vmem>>) target(%dma_start3A_23 : memref<120x16xf32, #tpu.memory_space<vmem_shared>>) target_semaphore(%run_scoped3A : memref<!tpu.dma_semaphore, #tpu.memory_space<semaphore_mem>>)
      %dma_wait3A = arith.constant 0 : i32
      %dma_wait3A_27 = arith.constant 0 : i32
      %dma_wait3A_28 = tpu.memref_slice %arg13[%dma_wait3A, %dma_wait3A_27] : memref<256x16xf32, #tpu.memory_space<vmem>> -> memref<120x16xf32, #tpu.memory_space<vmem>>
      %dma_wait3A_29 = arith.constant 0 : i32
      %dma_wait3A_30 = tpu.memref_slice %arg10[%add3A_11, %dma_wait3A_29] : memref<10112x16xf32, #tpu.memory_space<vmem_shared>> -> memref<120x16xf32, #tpu.memory_space<vmem_shared>>
      %dma_wait3A_31 = arith.constant 0 : i32
      %dma_wait3A_32 = tpu.memref_slice %arg10[%add3A_11, %dma_wait3A_31] : memref<10112x16xf32, #tpu.memory_space<vmem_shared>> -> memref<120x16xf32, #tpu.memory_space<vmem_shared>>
      %dma_wait3A_33 = arith.constant 0 : i32
      %dma_wait3A_34 = arith.constant 0 : i32
      %dma_wait3A_35 = tpu.memref_slice %arg13[%dma_wait3A_33, %dma_wait3A_34] : memref<256x16xf32, #tpu.memory_space<vmem>> -> memref<120x16xf32, #tpu.memory_space<vmem>>
      tpu.wait_dma2 semaphore(%run_scoped3A : memref<!tpu.dma_semaphore, #tpu.memory_space<semaphore_mem>>) src(%dma_wait3A_35 : memref<120x16xf32, #tpu.memory_space<vmem>>) dst(%dma_wait3A_32 : memref<120x16xf32, #tpu.memory_space<vmem_shared>>)
      tpu.yield
    }) : () -> ()
    "tpu.region"() ({
      %run_scoped3A = tpu.sem_alloc : memref<!tpu.dma_semaphore, #tpu.memory_space<semaphore_mem>>
      tpu.enqueue_dma source(%arg6 : memref<256x16xf32, #tpu.memory_space<hbm>>) target(%arg13 : memref<256x16xf32, #tpu.memory_space<vmem>>) target_semaphore(%run_scoped3A : memref<!tpu.dma_semaphore, #tpu.memory_space<semaphore_mem>>)
      tpu.wait_dma2 semaphore(%run_scoped3A : memref<!tpu.dma_semaphore, #tpu.memory_space<semaphore_mem>>) src(%arg6 : memref<256x16xf32, #tpu.memory_space<hbm>>) dst(%arg13 : memref<256x16xf32, #tpu.memory_space<vmem>>)
      tpu.yield
    }) : () -> ()
    %barrier3A = arith.constant 0 : index
    tpu.barrier barrier_id(%barrier3A)
    %scan3A = arith.constant 0 : i32
    %scan3A_12 = arith.constant 0 : i32
    %scan3A_13 = arith.constant 40 : i32
    %scan3A_14 = arith.addi %scan3A_12, %scan3A_13 : i32
    %scan3A_15 = arith.constant 1 : i32
    scf.for %scan3A_18 = %scan3A_12 to %scan3A_14 step %scan3A_15  : i32 {
      "tpu.region"() ({
        %run_scoped3A_291 = tpu.sem_alloc : memref<!tpu.dma_semaphore, #tpu.memory_space<semaphore_mem>>
        %dma_start3A_292 = arith.constant 0 : i32
        %dma_start3A_293 = arith.constant 0 : i32
        %dma_start3A_294 = tpu.memref_slice %arg3[%arg1, %scan3A_18, %dma_start3A_292, %dma_start3A_293] : memref<16x40x2x256xi32, #tpu.memory_space<hbm>> -> memref<1x1x2x256xi32, #tpu.memory_space<hbm>>
        %dma_start3A_295 = tpu.memref_squeeze %dma_start3A_294 : memref<1x1x2x256xi32, #tpu.memory_space<hbm>> -> memref<2x256xi32, #tpu.memory_space<hbm>>
        %dma_start3A_296 = arith.constant 0 : i32
        %dma_start3A_297 = arith.constant 0 : i32
        %dma_start3A_298 = tpu.memref_slice %arg3[%arg1, %scan3A_18, %dma_start3A_296, %dma_start3A_297] : memref<16x40x2x256xi32, #tpu.memory_space<hbm>> -> memref<1x1x2x256xi32, #tpu.memory_space<hbm>>
        %dma_start3A_299 = tpu.memref_squeeze %dma_start3A_298 : memref<1x1x2x256xi32, #tpu.memory_space<hbm>> -> memref<2x256xi32, #tpu.memory_space<hbm>>
        tpu.enqueue_dma source(%dma_start3A_299 : memref<2x256xi32, #tpu.memory_space<hbm>>) target(%arg11 : memref<2x256xi32, #tpu.memory_space<vmem>>) target_semaphore(%run_scoped3A_291 : memref<!tpu.dma_semaphore, #tpu.memory_space<semaphore_mem>>)
        %dma_wait3A_300 = arith.constant 0 : i32
        %dma_wait3A_301 = arith.constant 0 : i32
        %dma_wait3A_302 = tpu.memref_slice %arg3[%arg1, %scan3A_18, %dma_wait3A_300, %dma_wait3A_301] : memref<16x40x2x256xi32, #tpu.memory_space<hbm>> -> memref<1x1x2x256xi32, #tpu.memory_space<hbm>>
        %dma_wait3A_303 = tpu.memref_squeeze %dma_wait3A_302 : memref<1x1x2x256xi32, #tpu.memory_space<hbm>> -> memref<2x256xi32, #tpu.memory_space<hbm>>
        %dma_wait3A_304 = arith.constant 0 : i32
        %dma_wait3A_305 = arith.constant 0 : i32
        %dma_wait3A_306 = tpu.memref_slice %arg3[%arg1, %scan3A_18, %dma_wait3A_304, %dma_wait3A_305] : memref<16x40x2x256xi32, #tpu.memory_space<hbm>> -> memref<1x1x2x256xi32, #tpu.memory_space<hbm>>
        %dma_wait3A_307 = tpu.memref_squeeze %dma_wait3A_306 : memref<1x1x2x256xi32, #tpu.memory_space<hbm>> -> memref<2x256xi32, #tpu.memory_space<hbm>>
        tpu.wait_dma2 semaphore(%run_scoped3A_291 : memref<!tpu.dma_semaphore, #tpu.memory_space<semaphore_mem>>) src(%dma_wait3A_307 : memref<2x256xi32, #tpu.memory_space<hbm>>) dst(%arg11 : memref<2x256xi32, #tpu.memory_space<vmem>>)
        tpu.yield
      }) : () -> ()
      %get3A = arith.constant 0 : i32
      %get3A_19 = arith.index_cast %get3A : i32 to index
      %get3A_20 = arith.constant 0 : index
      %get3A_21 = tpu.vector_load %arg11[%get3A_19, %get3A_20] {strides = array<i32>} : memref<2x256xi32, #tpu.memory_space<vmem>>, vector<1x16xi32>,
      %get3A_22 = vector.shape_cast %get3A_21 : vector<1x16xi32> to vector<16xi32>
      %mul3A_23 = arith.constant 2 : i32
      %mul3A_24 = vector.broadcast %mul3A_23 : i32 to vector<16xi32>
      %mul3A_25 = arith.muli %get3A_22, %mul3A_24 : vector<16xi32>
      %add3A_26 = vector.broadcast %arg0 : i32 to vector<16xi32>
      %add3A_27 = arith.addi %mul3A_25, %add3A_26 : vector<16xi32>
      %swap3A = arith.constant 0 : i32
      %swap3A_28 = arith.index_cast %swap3A : i32 to index
      %swap3A_29 = arith.constant 0 : index
      %swap3A_30 = tpu.vector_load %arg11[%swap3A_28, %swap3A_29] {strides = array<i32>} : memref<2x256xi32, #tpu.memory_space<vmem>>, vector<1x16xi32>,
      %swap3A_31 = vector.shape_cast %swap3A_30 : vector<1x16xi32> to vector<16xi32>
      %swap3A_32 = vector.shape_cast %add3A_27 : vector<16xi32> to vector<1x16xi32>
      tpu.vector_store %arg11[%swap3A_28, %swap3A_29], %swap3A_32 {strides = array<i32>} : memref<2x256xi32, #tpu.memory_space<vmem>>, vector<1x16xi32>,
      %get3A_33 = arith.constant 0 : i32
      %get3A_34 = arith.index_cast %get3A_33 : i32 to index
      %get3A_35 = arith.constant 16 : index
      %get3A_36 = tpu.vector_load %arg11[%get3A_34, %get3A_35] {strides = array<i32>} : memref<2x256xi32, #tpu.memory_space<vmem>>, vector<1x16xi32>,
      %get3A_37 = vector.shape_cast %get3A_36 : vector<1x16xi32> to vector<16xi32>
      %mul3A_38 = arith.constant 2 : i32
      %mul3A_39 = vector.broadcast %mul3A_38 : i32 to vector<16xi32>
      %mul3A_40 = arith.muli %get3A_37, %mul3A_39 : vector<16xi32>
      %add3A_41 = vector.broadcast %arg0 : i32 to vector<16xi32>
      %add3A_42 = arith.addi %mul3A_40, %add3A_41 : vector<16xi32>
      %swap3A_43 = arith.constant 0 : i32
      %swap3A_44 = arith.index_cast %swap3A_43 : i32 to index
      %swap3A_45 = arith.constant 16 : index
      %swap3A_46 = tpu.vector_load %arg11[%swap3A_44, %swap3A_45] {strides = array<i32>} : memref<2x256xi32, #tpu.memory_space<vmem>>, vector<1x16xi32>,
      %swap3A_47 = vector.shape_cast %swap3A_46 : vector<1x16xi32> to vector<16xi32>
      %swap3A_48 = vector.shape_cast %add3A_42 : vector<16xi32> to vector<1x16xi32>
      tpu.vector_store %arg11[%swap3A_44, %swap3A_45], %swap3A_48 {strides = array<i32>} : memref<2x256xi32, #tpu.memory_space<vmem>>, vector<1x16xi32>,
      %get3A_49 = arith.constant 0 : i32
      %get3A_50 = arith.index_cast %get3A_49 : i32 to index
      %get3A_51 = arith.constant 32 : index
      %get3A_52 = tpu.vector_load %arg11[%get3A_50, %get3A_51] {strides = array<i32>} : memref<2x256xi32, #tpu.memory_space<vmem>>, vector<1x16xi32>,
      %get3A_53 = vector.shape_cast %get3A_52 : vector<1x16xi32> to vector<16xi32>
      %mul3A_54 = arith.constant 2 : i32
      %mul3A_55 = vector.broadcast %mul3A_54 : i32 to vector<16xi32>
      %mul3A_56 = arith.muli %get3A_53, %mul3A_55 : vector<16xi32>
      %add3A_57 = vector.broadcast %arg0 : i32 to vector<16xi32>
      %add3A_58 = arith.addi %mul3A_56, %add3A_57 : vector<16xi32>
      %swap3A_59 = arith.constant 0 : i32
      %swap3A_60 = arith.index_cast %swap3A_59 : i32 to index
      %swap3A_61 = arith.constant 32 : index
      %swap3A_62 = tpu.vector_load %arg11[%swap3A_60, %swap3A_61] {strides = array<i32>} : memref<2x256xi32, #tpu.memory_space<vmem>>, vector<1x16xi32>,
      %swap3A_63 = vector.shape_cast %swap3A_62 : vector<1x16xi32> to vector<16xi32>
      %swap3A_64 = vector.shape_cast %add3A_58 : vector<16xi32> to vector<1x16xi32>
      tpu.vector_store %arg11[%swap3A_60, %swap3A_61], %swap3A_64 {strides = array<i32>} : memref<2x256xi32, #tpu.memory_space<vmem>>, vector<1x16xi32>,
      %get3A_65 = arith.constant 0 : i32
      %get3A_66 = arith.index_cast %get3A_65 : i32 to index
      %get3A_67 = arith.constant 48 : index
      %get3A_68 = tpu.vector_load %arg11[%get3A_66, %get3A_67] {strides = array<i32>} : memref<2x256xi32, #tpu.memory_space<vmem>>, vector<1x16xi32>,
      %get3A_69 = vector.shape_cast %get3A_68 : vector<1x16xi32> to vector<16xi32>
      %mul3A_70 = arith.constant 2 : i32
      %mul3A_71 = vector.broadcast %mul3A_70 : i32 to vector<16xi32>
      %mul3A_72 = arith.muli %get3A_69, %mul3A_71 : vector<16xi32>
      %add3A_73 = vector.broadcast %arg0 : i32 to vector<16xi32>
      %add3A_74 = arith.addi %mul3A_72, %add3A_73 : vector<16xi32>
      %swap3A_75 = arith.constant 0 : i32
      %swap3A_76 = arith.index_cast %swap3A_75 : i32 to index
      %swap3A_77 = arith.constant 48 : index
      %swap3A_78 = tpu.vector_load %arg11[%swap3A_76, %swap3A_77] {strides = array<i32>} : memref<2x256xi32, #tpu.memory_space<vmem>>, vector<1x16xi32>,
      %swap3A_79 = vector.shape_cast %swap3A_78 : vector<1x16xi32> to vector<16xi32>
      %swap3A_80 = vector.shape_cast %add3A_74 : vector<16xi32> to vector<1x16xi32>
      tpu.vector_store %arg11[%swap3A_76, %swap3A_77], %swap3A_80 {strides = array<i32>} : memref<2x256xi32, #tpu.memory_space<vmem>>, vector<1x16xi32>,
      %get3A_81 = arith.constant 0 : i32
      %get3A_82 = arith.index_cast %get3A_81 : i32 to index
      %get3A_83 = arith.constant 64 : index
      %get3A_84 = tpu.vector_load %arg11[%get3A_82, %get3A_83] {strides = array<i32>} : memref<2x256xi32, #tpu.memory_space<vmem>>, vector<1x16xi32>,
      %get3A_85 = vector.shape_cast %get3A_84 : vector<1x16xi32> to vector<16xi32>
      %mul3A_86 = arith.constant 2 : i32
      %mul3A_87 = vector.broadcast %mul3A_86 : i32 to vector<16xi32>
      %mul3A_88 = arith.muli %get3A_85, %mul3A_87 : vector<16xi32>
      %add3A_89 = vector.broadcast %arg0 : i32 to vector<16xi32>
      %add3A_90 = arith.addi %mul3A_88, %add3A_89 : vector<16xi32>
      %swap3A_91 = arith.constant 0 : i32
      %swap3A_92 = arith.index_cast %swap3A_91 : i32 to index
      %swap3A_93 = arith.constant 64 : index
      %swap3A_94 = tpu.vector_load %arg11[%swap3A_92, %swap3A_93] {strides = array<i32>} : memref<2x256xi32, #tpu.memory_space<vmem>>, vector<1x16xi32>,
      %swap3A_95 = vector.shape_cast %swap3A_94 : vector<1x16xi32> to vector<16xi32>
      %swap3A_96 = vector.shape_cast %add3A_90 : vector<16xi32> to vector<1x16xi32>
      tpu.vector_store %arg11[%swap3A_92, %swap3A_93], %swap3A_96 {strides = array<i32>} : memref<2x256xi32, #tpu.memory_space<vmem>>, vector<1x16xi32>,
      %get3A_97 = arith.constant 0 : i32
      %get3A_98 = arith.index_cast %get3A_97 : i32 to index
      %get3A_99 = arith.constant 80 : index
      %get3A_100 = tpu.vector_load %arg11[%get3A_98, %get3A_99] {strides = array<i32>} : memref<2x256xi32, #tpu.memory_space<vmem>>, vector<1x16xi32>,
      %get3A_101 = vector.shape_cast %get3A_100 : vector<1x16xi32> to vector<16xi32>
      %mul3A_102 = arith.constant 2 : i32
      %mul3A_103 = vector.broadcast %mul3A_102 : i32 to vector<16xi32>
      %mul3A_104 = arith.muli %get3A_101, %mul3A_103 : vector<16xi32>
      %add3A_105 = vector.broadcast %arg0 : i32 to vector<16xi32>
      %add3A_106 = arith.addi %mul3A_104, %add3A_105 : vector<16xi32>
      %swap3A_107 = arith.constant 0 : i32
      %swap3A_108 = arith.index_cast %swap3A_107 : i32 to index
      %swap3A_109 = arith.constant 80 : index
      %swap3A_110 = tpu.vector_load %arg11[%swap3A_108, %swap3A_109] {strides = array<i32>} : memref<2x256xi32, #tpu.memory_space<vmem>>, vector<1x16xi32>,
      %swap3A_111 = vector.shape_cast %swap3A_110 : vector<1x16xi32> to vector<16xi32>
      %swap3A_112 = vector.shape_cast %add3A_106 : vector<16xi32> to vector<1x16xi32>
      tpu.vector_store %arg11[%swap3A_108, %swap3A_109], %swap3A_112 {strides = array<i32>} : memref<2x256xi32, #tpu.memory_space<vmem>>, vector<1x16xi32>,
      %get3A_113 = arith.constant 0 : i32
      %get3A_114 = arith.index_cast %get3A_113 : i32 to index
      %get3A_115 = arith.constant 96 : index
      %get3A_116 = tpu.vector_load %arg11[%get3A_114, %get3A_115] {strides = array<i32>} : memref<2x256xi32, #tpu.memory_space<vmem>>, vector<1x16xi32>,
      %get3A_117 = vector.shape_cast %get3A_116 : vector<1x16xi32> to vector<16xi32>
      %mul3A_118 = arith.constant 2 : i32
      %mul3A_119 = vector.broadcast %mul3A_118 : i32 to vector<16xi32>
      %mul3A_120 = arith.muli %get3A_117, %mul3A_119 : vector<16xi32>
      %add3A_121 = vector.broadcast %arg0 : i32 to vector<16xi32>
      %add3A_122 = arith.addi %mul3A_120, %add3A_121 : vector<16xi32>
      %swap3A_123 = arith.constant 0 : i32
      %swap3A_124 = arith.index_cast %swap3A_123 : i32 to index
      %swap3A_125 = arith.constant 96 : index
      %swap3A_126 = tpu.vector_load %arg11[%swap3A_124, %swap3A_125] {strides = array<i32>} : memref<2x256xi32, #tpu.memory_space<vmem>>, vector<1x16xi32>,
      %swap3A_127 = vector.shape_cast %swap3A_126 : vector<1x16xi32> to vector<16xi32>
      %swap3A_128 = vector.shape_cast %add3A_122 : vector<16xi32> to vector<1x16xi32>
      tpu.vector_store %arg11[%swap3A_124, %swap3A_125], %swap3A_128 {strides = array<i32>} : memref<2x256xi32, #tpu.memory_space<vmem>>, vector<1x16xi32>,
      %get3A_129 = arith.constant 0 : i32
      %get3A_130 = arith.index_cast %get3A_129 : i32 to index
      %get3A_131 = arith.constant 112 : index
      %get3A_132 = tpu.vector_load %arg11[%get3A_130, %get3A_131] {strides = array<i32>} : memref<2x256xi32, #tpu.memory_space<vmem>>, vector<1x16xi32>,
      %get3A_133 = vector.shape_cast %get3A_132 : vector<1x16xi32> to vector<16xi32>
      %mul3A_134 = arith.constant 2 : i32
      %mul3A_135 = vector.broadcast %mul3A_134 : i32 to vector<16xi32>
      %mul3A_136 = arith.muli %get3A_133, %mul3A_135 : vector<16xi32>
      %add3A_137 = vector.broadcast %arg0 : i32 to vector<16xi32>
      %add3A_138 = arith.addi %mul3A_136, %add3A_137 : vector<16xi32>
      %swap3A_139 = arith.constant 0 : i32
      %swap3A_140 = arith.index_cast %swap3A_139 : i32 to index
      %swap3A_141 = arith.constant 112 : index
      %swap3A_142 = tpu.vector_load %arg11[%swap3A_140, %swap3A_141] {strides = array<i32>} : memref<2x256xi32, #tpu.memory_space<vmem>>, vector<1x16xi32>,
      %swap3A_143 = vector.shape_cast %swap3A_142 : vector<1x16xi32> to vector<16xi32>
      %swap3A_144 = vector.shape_cast %add3A_138 : vector<16xi32> to vector<1x16xi32>
      tpu.vector_store %arg11[%swap3A_140, %swap3A_141], %swap3A_144 {strides = array<i32>} : memref<2x256xi32, #tpu.memory_space<vmem>>, vector<1x16xi32>,
      %get3A_145 = arith.constant 0 : i32
      %get3A_146 = arith.index_cast %get3A_145 : i32 to index
      %get3A_147 = arith.constant 128 : index
      %get3A_148 = tpu.vector_load %arg11[%get3A_146, %get3A_147] {strides = array<i32>} : memref<2x256xi32, #tpu.memory_space<vmem>>, vector<1x16xi32>,
      %get3A_149 = vector.shape_cast %get3A_148 : vector<1x16xi32> to vector<16xi32>
      %mul3A_150 = arith.constant 2 : i32
      %mul3A_151 = vector.broadcast %mul3A_150 : i32 to vector<16xi32>
      %mul3A_152 = arith.muli %get3A_149, %mul3A_151 : vector<16xi32>
      %add3A_153 = vector.broadcast %arg0 : i32 to vector<16xi32>
      %add3A_154 = arith.addi %mul3A_152, %add3A_153 : vector<16xi32>
      %swap3A_155 = arith.constant 0 : i32
      %swap3A_156 = arith.index_cast %swap3A_155 : i32 to index
      %swap3A_157 = arith.constant 128 : index
      %swap3A_158 = tpu.vector_load %arg11[%swap3A_156, %swap3A_157] {strides = array<i32>} : memref<2x256xi32, #tpu.memory_space<vmem>>, vector<1x16xi32>,
      %swap3A_159 = vector.shape_cast %swap3A_158 : vector<1x16xi32> to vector<16xi32>
      %swap3A_160 = vector.shape_cast %add3A_154 : vector<16xi32> to vector<1x16xi32>
      tpu.vector_store %arg11[%swap3A_156, %swap3A_157], %swap3A_160 {strides = array<i32>} : memref<2x256xi32, #tpu.memory_space<vmem>>, vector<1x16xi32>,
      %get3A_161 = arith.constant 0 : i32
      %get3A_162 = arith.index_cast %get3A_161 : i32 to index
      %get3A_163 = arith.constant 144 : index
      %get3A_164 = tpu.vector_load %arg11[%get3A_162, %get3A_163] {strides = array<i32>} : memref<2x256xi32, #tpu.memory_space<vmem>>, vector<1x16xi32>,
      %get3A_165 = vector.shape_cast %get3A_164 : vector<1x16xi32> to vector<16xi32>
      %mul3A_166 = arith.constant 2 : i32
      %mul3A_167 = vector.broadcast %mul3A_166 : i32 to vector<16xi32>
      %mul3A_168 = arith.muli %get3A_165, %mul3A_167 : vector<16xi32>
      %add3A_169 = vector.broadcast %arg0 : i32 to vector<16xi32>
      %add3A_170 = arith.addi %mul3A_168, %add3A_169 : vector<16xi32>
      %swap3A_171 = arith.constant 0 : i32
      %swap3A_172 = arith.index_cast %swap3A_171 : i32 to index
      %swap3A_173 = arith.constant 144 : index
      %swap3A_174 = tpu.vector_load %arg11[%swap3A_172, %swap3A_173] {strides = array<i32>} : memref<2x256xi32, #tpu.memory_space<vmem>>, vector<1x16xi32>,
      %swap3A_175 = vector.shape_cast %swap3A_174 : vector<1x16xi32> to vector<16xi32>
      %swap3A_176 = vector.shape_cast %add3A_170 : vector<16xi32> to vector<1x16xi32>
      tpu.vector_store %arg11[%swap3A_172, %swap3A_173], %swap3A_176 {strides = array<i32>} : memref<2x256xi32, #tpu.memory_space<vmem>>, vector<1x16xi32>,
      %get3A_177 = arith.constant 0 : i32
      %get3A_178 = arith.index_cast %get3A_177 : i32 to index
      %get3A_179 = arith.constant 160 : index
      %get3A_180 = tpu.vector_load %arg11[%get3A_178, %get3A_179] {strides = array<i32>} : memref<2x256xi32, #tpu.memory_space<vmem>>, vector<1x16xi32>,
      %get3A_181 = vector.shape_cast %get3A_180 : vector<1x16xi32> to vector<16xi32>
      %mul3A_182 = arith.constant 2 : i32
      %mul3A_183 = vector.broadcast %mul3A_182 : i32 to vector<16xi32>
      %mul3A_184 = arith.muli %get3A_181, %mul3A_183 : vector<16xi32>
      %add3A_185 = vector.broadcast %arg0 : i32 to vector<16xi32>
      %add3A_186 = arith.addi %mul3A_184, %add3A_185 : vector<16xi32>
      %swap3A_187 = arith.constant 0 : i32
      %swap3A_188 = arith.index_cast %swap3A_187 : i32 to index
      %swap3A_189 = arith.constant 160 : index
      %swap3A_190 = tpu.vector_load %arg11[%swap3A_188, %swap3A_189] {strides = array<i32>} : memref<2x256xi32, #tpu.memory_space<vmem>>, vector<1x16xi32>,
      %swap3A_191 = vector.shape_cast %swap3A_190 : vector<1x16xi32> to vector<16xi32>
      %swap3A_192 = vector.shape_cast %add3A_186 : vector<16xi32> to vector<1x16xi32>
      tpu.vector_store %arg11[%swap3A_188, %swap3A_189], %swap3A_192 {strides = array<i32>} : memref<2x256xi32, #tpu.memory_space<vmem>>, vector<1x16xi32>,
      %get3A_193 = arith.constant 0 : i32
      %get3A_194 = arith.index_cast %get3A_193 : i32 to index
      %get3A_195 = arith.constant 176 : index
      %get3A_196 = tpu.vector_load %arg11[%get3A_194, %get3A_195] {strides = array<i32>} : memref<2x256xi32, #tpu.memory_space<vmem>>, vector<1x16xi32>,
      %get3A_197 = vector.shape_cast %get3A_196 : vector<1x16xi32> to vector<16xi32>
      %mul3A_198 = arith.constant 2 : i32
      %mul3A_199 = vector.broadcast %mul3A_198 : i32 to vector<16xi32>
      %mul3A_200 = arith.muli %get3A_197, %mul3A_199 : vector<16xi32>
      %add3A_201 = vector.broadcast %arg0 : i32 to vector<16xi32>
      %add3A_202 = arith.addi %mul3A_200, %add3A_201 : vector<16xi32>
      %swap3A_203 = arith.constant 0 : i32
      %swap3A_204 = arith.index_cast %swap3A_203 : i32 to index
      %swap3A_205 = arith.constant 176 : index
      %swap3A_206 = tpu.vector_load %arg11[%swap3A_204, %swap3A_205] {strides = array<i32>} : memref<2x256xi32, #tpu.memory_space<vmem>>, vector<1x16xi32>,
      %swap3A_207 = vector.shape_cast %swap3A_206 : vector<1x16xi32> to vector<16xi32>
      %swap3A_208 = vector.shape_cast %add3A_202 : vector<16xi32> to vector<1x16xi32>
      tpu.vector_store %arg11[%swap3A_204, %swap3A_205], %swap3A_208 {strides = array<i32>} : memref<2x256xi32, #tpu.memory_space<vmem>>, vector<1x16xi32>,
      %get3A_209 = arith.constant 0 : i32
      %get3A_210 = arith.index_cast %get3A_209 : i32 to index
      %get3A_211 = arith.constant 192 : index
      %get3A_212 = tpu.vector_load %arg11[%get3A_210, %get3A_211] {strides = array<i32>} : memref<2x256xi32, #tpu.memory_space<vmem>>, vector<1x16xi32>,
      %get3A_213 = vector.shape_cast %get3A_212 : vector<1x16xi32> to vector<16xi32>
      %mul3A_214 = arith.constant 2 : i32
      %mul3A_215 = vector.broadcast %mul3A_214 : i32 to vector<16xi32>
      %mul3A_216 = arith.muli %get3A_213, %mul3A_215 : vector<16xi32>
      %add3A_217 = vector.broadcast %arg0 : i32 to vector<16xi32>
      %add3A_218 = arith.addi %mul3A_216, %add3A_217 : vector<16xi32>
      %swap3A_219 = arith.constant 0 : i32
      %swap3A_220 = arith.index_cast %swap3A_219 : i32 to index
      %swap3A_221 = arith.constant 192 : index
      %swap3A_222 = tpu.vector_load %arg11[%swap3A_220, %swap3A_221] {strides = array<i32>} : memref<2x256xi32, #tpu.memory_space<vmem>>, vector<1x16xi32>,
      %swap3A_223 = vector.shape_cast %swap3A_222 : vector<1x16xi32> to vector<16xi32>
      %swap3A_224 = vector.shape_cast %add3A_218 : vector<16xi32> to vector<1x16xi32>
      tpu.vector_store %arg11[%swap3A_220, %swap3A_221], %swap3A_224 {strides = array<i32>} : memref<2x256xi32, #tpu.memory_space<vmem>>, vector<1x16xi32>,
      %get3A_225 = arith.constant 0 : i32
      %get3A_226 = arith.index_cast %get3A_225 : i32 to index
      %get3A_227 = arith.constant 208 : index
      %get3A_228 = tpu.vector_load %arg11[%get3A_226, %get3A_227] {strides = array<i32>} : memref<2x256xi32, #tpu.memory_space<vmem>>, vector<1x16xi32>,
      %get3A_229 = vector.shape_cast %get3A_228 : vector<1x16xi32> to vector<16xi32>
      %mul3A_230 = arith.constant 2 : i32
      %mul3A_231 = vector.broadcast %mul3A_230 : i32 to vector<16xi32>
      %mul3A_232 = arith.muli %get3A_229, %mul3A_231 : vector<16xi32>
      %add3A_233 = vector.broadcast %arg0 : i32 to vector<16xi32>
      %add3A_234 = arith.addi %mul3A_232, %add3A_233 : vector<16xi32>
      %swap3A_235 = arith.constant 0 : i32
      %swap3A_236 = arith.index_cast %swap3A_235 : i32 to index
      %swap3A_237 = arith.constant 208 : index
      %swap3A_238 = tpu.vector_load %arg11[%swap3A_236, %swap3A_237] {strides = array<i32>} : memref<2x256xi32, #tpu.memory_space<vmem>>, vector<1x16xi32>,
      %swap3A_239 = vector.shape_cast %swap3A_238 : vector<1x16xi32> to vector<16xi32>
      %swap3A_240 = vector.shape_cast %add3A_234 : vector<16xi32> to vector<1x16xi32>
      tpu.vector_store %arg11[%swap3A_236, %swap3A_237], %swap3A_240 {strides = array<i32>} : memref<2x256xi32, #tpu.memory_space<vmem>>, vector<1x16xi32>,
      %get3A_241 = arith.constant 0 : i32
      %get3A_242 = arith.index_cast %get3A_241 : i32 to index
      %get3A_243 = arith.constant 224 : index
      %get3A_244 = tpu.vector_load %arg11[%get3A_242, %get3A_243] {strides = array<i32>} : memref<2x256xi32, #tpu.memory_space<vmem>>, vector<1x16xi32>,
      %get3A_245 = vector.shape_cast %get3A_244 : vector<1x16xi32> to vector<16xi32>
      %mul3A_246 = arith.constant 2 : i32
      %mul3A_247 = vector.broadcast %mul3A_246 : i32 to vector<16xi32>
      %mul3A_248 = arith.muli %get3A_245, %mul3A_247 : vector<16xi32>
      %add3A_249 = vector.broadcast %arg0 : i32 to vector<16xi32>
      %add3A_250 = arith.addi %mul3A_248, %add3A_249 : vector<16xi32>
      %swap3A_251 = arith.constant 0 : i32
      %swap3A_252 = arith.index_cast %swap3A_251 : i32 to index
      %swap3A_253 = arith.constant 224 : index
      %swap3A_254 = tpu.vector_load %arg11[%swap3A_252, %swap3A_253] {strides = array<i32>} : memref<2x256xi32, #tpu.memory_space<vmem>>, vector<1x16xi32>,
      %swap3A_255 = vector.shape_cast %swap3A_254 : vector<1x16xi32> to vector<16xi32>
      %swap3A_256 = vector.shape_cast %add3A_250 : vector<16xi32> to vector<1x16xi32>
      tpu.vector_store %arg11[%swap3A_252, %swap3A_253], %swap3A_256 {strides = array<i32>} : memref<2x256xi32, #tpu.memory_space<vmem>>, vector<1x16xi32>,
      %get3A_257 = arith.constant 0 : i32
      %get3A_258 = arith.index_cast %get3A_257 : i32 to index
      %get3A_259 = arith.constant 240 : index
      %get3A_260 = tpu.vector_load %arg11[%get3A_258, %get3A_259] {strides = array<i32>} : memref<2x256xi32, #tpu.memory_space<vmem>>, vector<1x16xi32>,
      %get3A_261 = vector.shape_cast %get3A_260 : vector<1x16xi32> to vector<16xi32>
      %mul3A_262 = arith.constant 2 : i32
      %mul3A_263 = vector.broadcast %mul3A_262 : i32 to vector<16xi32>
      %mul3A_264 = arith.muli %get3A_261, %mul3A_263 : vector<16xi32>
      %add3A_265 = vector.broadcast %arg0 : i32 to vector<16xi32>
      %add3A_266 = arith.addi %mul3A_264, %add3A_265 : vector<16xi32>
      %swap3A_267 = arith.constant 0 : i32
      %swap3A_268 = arith.index_cast %swap3A_267 : i32 to index
      %swap3A_269 = arith.constant 240 : index
      %swap3A_270 = tpu.vector_load %arg11[%swap3A_268, %swap3A_269] {strides = array<i32>} : memref<2x256xi32, #tpu.memory_space<vmem>>, vector<1x16xi32>,
      %swap3A_271 = vector.shape_cast %swap3A_270 : vector<1x16xi32> to vector<16xi32>
      %swap3A_272 = vector.shape_cast %add3A_266 : vector<16xi32> to vector<1x16xi32>
      tpu.vector_store %arg11[%swap3A_268, %swap3A_269], %swap3A_272 {strides = array<i32>} : memref<2x256xi32, #tpu.memory_space<vmem>>, vector<1x16xi32>,
      %dma_start3A = arith.constant 0 : i32
      %dma_start3A_273 = arith.constant 0 : i32
      %dma_start3A_274 = tpu.memref_slice %arg11[%dma_start3A, %dma_start3A_273] : memref<2x256xi32, #tpu.memory_space<vmem>> -> memref<1x256xi32, #tpu.memory_space<vmem>>
      %dma_start3A_275 = tpu.memref_squeeze %dma_start3A_274 : memref<1x256xi32, #tpu.memory_space<vmem>> -> memref<256xi32, #tpu.memory_space<vmem>>
      %dma_start3A_276 = arith.constant 0 : i32
      %dma_start3A_277 = arith.constant 0 : i32
      %dma_start3A_278 = tpu.memref_slice %arg2[%dma_start3A_276, %dma_start3A_277] : memref<20000x128xf32, #tpu.memory_space<hbm>> -> memref<20000x128xf32, #tpu.memory_space<hbm>>
      tpu.enqueue_indirect_dma source(%dma_start3A_278 : memref<20000x128xf32, #tpu.memory_space<hbm>>) target(%arg12 : memref<256x128xf32, #tpu.memory_space<vmem>>) offsets(%dma_start3A_275 : memref<256xi32, #tpu.memory_space<vmem>>) semaphore(%arg14 : memref<!tpu.dma_semaphore, #tpu.memory_space<semaphore_mem>>)
      %dma_wait3A = arith.constant 0 : i32
      %dma_wait3A_279 = arith.constant 0 : i32
      %dma_wait3A_280 = tpu.memref_slice %arg11[%dma_wait3A, %dma_wait3A_279] : memref<2x256xi32, #tpu.memory_space<vmem>> -> memref<1x256xi32, #tpu.memory_space<vmem>>
      %dma_wait3A_281 = tpu.memref_squeeze %dma_wait3A_280 : memref<1x256xi32, #tpu.memory_space<vmem>> -> memref<256xi32, #tpu.memory_space<vmem>>
      %dma_wait3A_282 = arith.constant 0 : i32
      %dma_wait3A_283 = arith.constant 0 : i32
      %dma_wait3A_284 = tpu.memref_slice %arg2[%dma_wait3A_282, %dma_wait3A_283] : memref<20000x128xf32, #tpu.memory_space<hbm>> -> memref<20000x128xf32, #tpu.memory_space<hbm>>
      tpu.wait_indirect_dma semaphore(%arg14 : memref<!tpu.dma_semaphore, #tpu.memory_space<semaphore_mem>>) src(%dma_wait3A_284 : memref<20000x128xf32, #tpu.memory_space<hbm>>) dst(%arg12 : memref<256x128xf32, #tpu.memory_space<vmem>>)
      %run_scoped3A = arith.constant 1 : i32
      "tpu.region"() ({
        %run_scoped3A_291 = tpu.sem_alloc : memref<!tpu.dma_semaphore, #tpu.memory_space<semaphore_mem>>
        %dma_start3A_292 = arith.constant 0 : i32
        %dma_start3A_293 = tpu.memref_slice %arg11[%run_scoped3A, %dma_start3A_292] : memref<2x256xi32, #tpu.memory_space<vmem>> -> memref<1x256xi32, #tpu.memory_space<vmem>>
        %dma_start3A_294 = tpu.memref_squeeze %dma_start3A_293 : memref<1x256xi32, #tpu.memory_space<vmem>> -> memref<256xi32, #tpu.memory_space<vmem>>
        %dma_start3A_295 = arith.constant 0 : i32
        %dma_start3A_296 = arith.constant 0 : i32
        %dma_start3A_297 = tpu.memref_slice %arg9[%dma_start3A_295, %dma_start3A_296] : memref<10112x128xf32, #tpu.memory_space<vmem_shared>> -> memref<10112x128xf32, #tpu.memory_space<vmem_shared>>
        tpu.enqueue_indirect_dma source(%arg12 : memref<256x128xf32, #tpu.memory_space<vmem>>) target(%dma_start3A_297 : memref<10112x128xf32, #tpu.memory_space<vmem_shared>>) offsets(%dma_start3A_294 : memref<256xi32, #tpu.memory_space<vmem>>) semaphore(%run_scoped3A_291 : memref<!tpu.dma_semaphore, #tpu.memory_space<semaphore_mem>>) {add = true}
        %dma_wait3A_298 = arith.constant 0 : i32
        %dma_wait3A_299 = tpu.memref_slice %arg11[%run_scoped3A, %dma_wait3A_298] : memref<2x256xi32, #tpu.memory_space<vmem>> -> memref<1x256xi32, #tpu.memory_space<vmem>>
        %dma_wait3A_300 = tpu.memref_squeeze %dma_wait3A_299 : memref<1x256xi32, #tpu.memory_space<vmem>> -> memref<256xi32, #tpu.memory_space<vmem>>
        %dma_wait3A_301 = arith.constant 0 : i32
        %dma_wait3A_302 = arith.constant 0 : i32
        %dma_wait3A_303 = tpu.memref_slice %arg9[%dma_wait3A_301, %dma_wait3A_302] : memref<10112x128xf32, #tpu.memory_space<vmem_shared>> -> memref<10112x128xf32, #tpu.memory_space<vmem_shared>>
        tpu.wait_indirect_dma semaphore(%run_scoped3A_291 : memref<!tpu.dma_semaphore, #tpu.memory_space<semaphore_mem>>) src(%arg12 : memref<256x128xf32, #tpu.memory_space<vmem>>) dst(%dma_wait3A_303 : memref<10112x128xf32, #tpu.memory_space<vmem_shared>>)
        tpu.yield
      }) : () -> ()
      %lt3A = arith.constant 20 : i32
      %lt3A_285 = arith.cmpi slt, %scan3A_18, %lt3A : i32
      %eq3A = arith.constant 0 : i32
      %eq3A_286 = arith.cmpi eq, %arg0, %eq3A : i32
      %eq3A_287 = arith.xori %lt3A_285, %eq3A_286 : i1
      %eq3A_288 = arith.constant true
      %eq3A_289 = arith.xori %eq3A_287, %eq3A_288 : i1
      %convert_element_type3A = arith.extui %eq3A_289 : i1 to i32
      %cond3A = arith.constant 0 : i32
      %cond3A_290 = arith.cmpi ne, %convert_element_type3A, %cond3A : i32
      scf.if %cond3A_290 {
        %run_scoped3A_291 = arith.constant 1 : i32
        "tpu.region"() ({
          %run_scoped3A_292 = tpu.sem_alloc : memref<!tpu.dma_semaphore, #tpu.memory_space<semaphore_mem>>
          %dma_start3A_293 = arith.constant 0 : i32
          %dma_start3A_294 = tpu.memref_slice %arg11[%run_scoped3A_291, %dma_start3A_293] : memref<2x256xi32, #tpu.memory_space<vmem>> -> memref<1x256xi32, #tpu.memory_space<vmem>>
          %dma_start3A_295 = tpu.memref_squeeze %dma_start3A_294 : memref<1x256xi32, #tpu.memory_space<vmem>> -> memref<256xi32, #tpu.memory_space<vmem>>
          %dma_start3A_296 = arith.constant 0 : i32
          %dma_start3A_297 = arith.constant 0 : i32
          %dma_start3A_298 = tpu.memref_slice %arg10[%dma_start3A_296, %dma_start3A_297] : memref<10112x16xf32, #tpu.memory_space<vmem_shared>> -> memref<10112x16xf32, #tpu.memory_space<vmem_shared>>
          tpu.enqueue_indirect_dma source(%arg13 : memref<256x16xf32, #tpu.memory_space<vmem>>) target(%dma_start3A_298 : memref<10112x16xf32, #tpu.memory_space<vmem_shared>>) offsets(%dma_start3A_295 : memref<256xi32, #tpu.memory_space<vmem>>) semaphore(%run_scoped3A_292 : memref<!tpu.dma_semaphore, #tpu.memory_space<semaphore_mem>>) {add = true}
          %dma_wait3A_299 = arith.constant 0 : i32
          %dma_wait3A_300 = tpu.memref_slice %arg11[%run_scoped3A_291, %dma_wait3A_299] : memref<2x256xi32, #tpu.memory_space<vmem>> -> memref<1x256xi32, #tpu.memory_space<vmem>>
          %dma_wait3A_301 = tpu.memref_squeeze %dma_wait3A_300 : memref<1x256xi32, #tpu.memory_space<vmem>> -> memref<256xi32, #tpu.memory_space<vmem>>
          %dma_wait3A_302 = arith.constant 0 : i32
          %dma_wait3A_303 = arith.constant 0 : i32
          %dma_wait3A_304 = tpu.memref_slice %arg10[%dma_wait3A_302, %dma_wait3A_303] : memref<10112x16xf32, #tpu.memory_space<vmem_shared>> -> memref<10112x16xf32, #tpu.memory_space<vmem_shared>>
          tpu.wait_indirect_dma semaphore(%run_scoped3A_292 : memref<!tpu.dma_semaphore, #tpu.memory_space<semaphore_mem>>) src(%arg13 : memref<256x16xf32, #tpu.memory_space<vmem>>) dst(%dma_wait3A_304 : memref<10112x16xf32, #tpu.memory_space<vmem_shared>>)
          tpu.yield
        }) : () -> ()
      } else {
      }
    }
    %scan3A_16 = arith.constant 40 : i32
    %barrier3A_17 = arith.constant 0 : index
    tpu.barrier barrier_id(%barrier3A_17)
    "tpu.region"() ({
      %run_scoped3A = tpu.sem_alloc : memref<!tpu.dma_semaphore, #tpu.memory_space<semaphore_mem>>
      %dma_start3A = arith.constant 0 : i32
      %dma_start3A_18 = tpu.memref_slice %arg7[%arg0, %mul3A_0, %dma_start3A] : memref<2x10112x128xf32, #tpu.memory_space<hbm>> -> memref<1x632x128xf32, #tpu.memory_space<hbm>>
      %dma_start3A_19 = tpu.memref_squeeze %dma_start3A_18 : memref<1x632x128xf32, #tpu.memory_space<hbm>> -> memref<632x128xf32, #tpu.memory_space<hbm>>
      %dma_start3A_20 = arith.constant 0 : i32
      %dma_start3A_21 = tpu.memref_slice %arg9[%mul3A_0, %dma_start3A_20] : memref<10112x128xf32, #tpu.memory_space<vmem_shared>> -> memref<632x128xf32, #tpu.memory_space<vmem_shared>>
      tpu.enqueue_dma source(%dma_start3A_21 : memref<632x128xf32, #tpu.memory_space<vmem_shared>>) target(%dma_start3A_19 : memref<632x128xf32, #tpu.memory_space<hbm>>) target_semaphore(%run_scoped3A : memref<!tpu.dma_semaphore, #tpu.memory_space<semaphore_mem>>)
      %dma_wait3A = arith.constant 0 : i32
      %dma_wait3A_22 = tpu.memref_slice %arg7[%arg0, %mul3A_0, %dma_wait3A] : memref<2x10112x128xf32, #tpu.memory_space<hbm>> -> memref<1x632x128xf32, #tpu.memory_space<hbm>>
      %dma_wait3A_23 = tpu.memref_squeeze %dma_wait3A_22 : memref<1x632x128xf32, #tpu.memory_space<hbm>> -> memref<632x128xf32, #tpu.memory_space<hbm>>
      %dma_wait3A_24 = arith.constant 0 : i32
      %dma_wait3A_25 = tpu.memref_slice %arg9[%mul3A_0, %dma_wait3A_24] : memref<10112x128xf32, #tpu.memory_space<vmem_shared>> -> memref<632x128xf32, #tpu.memory_space<vmem_shared>>
      tpu.wait_dma2 semaphore(%run_scoped3A : memref<!tpu.dma_semaphore, #tpu.memory_space<semaphore_mem>>) src(%dma_wait3A_25 : memref<632x128xf32, #tpu.memory_space<vmem_shared>>) dst(%dma_wait3A_23 : memref<632x128xf32, #tpu.memory_space<hbm>>)
      tpu.yield
    }) : () -> ()
    "tpu.region"() ({
      %run_scoped3A = tpu.sem_alloc : memref<!tpu.dma_semaphore, #tpu.memory_space<semaphore_mem>>
      %dma_start3A = arith.constant 0 : i32
      %dma_start3A_18 = tpu.memref_slice %arg8[%arg0, %mul3A_0, %dma_start3A] : memref<2x10112x16xf32, #tpu.memory_space<hbm>> -> memref<1x632x16xf32, #tpu.memory_space<hbm>>
      %dma_start3A_19 = tpu.memref_squeeze %dma_start3A_18 : memref<1x632x16xf32, #tpu.memory_space<hbm>> -> memref<632x16xf32, #tpu.memory_space<hbm>>
      %dma_start3A_20 = arith.constant 0 : i32
      %dma_start3A_21 = tpu.memref_slice %arg10[%mul3A_0, %dma_start3A_20] : memref<10112x16xf32, #tpu.memory_space<vmem_shared>> -> memref<632x16xf32, #tpu.memory_space<vmem_shared>>
      tpu.enqueue_dma source(%dma_start3A_21 : memref<632x16xf32, #tpu.memory_space<vmem_shared>>) target(%dma_start3A_19 : memref<632x16xf32, #tpu.memory_space<hbm>>) target_semaphore(%run_scoped3A : memref<!tpu.dma_semaphore, #tpu.memory_space<semaphore_mem>>)
      %dma_wait3A = arith.constant 0 : i32
      %dma_wait3A_22 = tpu.memref_slice %arg8[%arg0, %mul3A_0, %dma_wait3A] : memref<2x10112x16xf32, #tpu.memory_space<hbm>> -> memref<1x632x16xf32, #tpu.memory_space<hbm>>
      %dma_wait3A_23 = tpu.memref_squeeze %dma_wait3A_22 : memref<1x632x16xf32, #tpu.memory_space<hbm>> -> memref<632x16xf32, #tpu.memory_space<hbm>>
      %dma_wait3A_24 = arith.constant 0 : i32
      %dma_wait3A_25 = tpu.memref_slice %arg10[%mul3A_0, %dma_wait3A_24] : memref<10112x16xf32, #tpu.memory_space<vmem_shared>> -> memref<632x16xf32, #tpu.memory_space<vmem_shared>>
      tpu.wait_dma2 semaphore(%run_scoped3A : memref<!tpu.dma_semaphore, #tpu.memory_space<semaphore_mem>>) src(%dma_wait3A_25 : memref<632x16xf32, #tpu.memory_space<vmem_shared>>) dst(%dma_wait3A_23 : memref<632x16xf32, #tpu.memory_space<hbm>>)
      tpu.yield
    }) : () -> ()
    return
  }
}

#map = affine_map<(d0, d1) -> (0, 0, 0)>
#map1 = affine_map<(d0, d1) -> (0, 0, 0, 0)>
#map2 = affine_map<(d0, d1) -> (0, 0)>
module attributes {stable_mosaic.version = 14 : i64} {
  func.func @_sc_agg_body(%arg0: i32, %arg1: i32, %arg2: memref<2x10000x128xf32, #tpu.memory_space<hbm>>, %arg3: memref<16x40x2x256xi32, #tpu.memory_space<hbm>>, %arg4: memref<256x128xf32, #tpu.memory_space<hbm>>, %arg5: memref<2x10112x128xf32, #tpu.memory_space<hbm>>, %arg6: memref<10112x128xf32, #tpu.memory_space<vmem_shared>>, %arg7: memref<2x256xi32, #tpu.memory_space<vmem>>, %arg8: memref<256x128xf32, #tpu.memory_space<vmem>>, %arg9: memref<!tpu.dma_semaphore, #tpu.memory_space<semaphore_mem>>) attributes {dimension_semantics = [#tpu.dimension_semantics<core_parallel>, #tpu.dimension_semantics<subcore_parallel>], iteration_bounds = array<i64: 2, 16>, scalar_prefetch = 0 : i64, scratch_operands = 4 : i64, tpu.core_type = #tpu.core_type<sc_vector_subcore>, window_params = [{transform_indices = #map}, {transform_indices = #map1}, {transform_indices = #map2}, {transform_indices = #map}]} {
    %mul3A = arith.constant 632 : i32
    %mul3A_0 = arith.muli %arg1, %mul3A : i32
    "tpu.region"() ({
      %run_scoped3A = tpu.sem_alloc : memref<!tpu.dma_semaphore, #tpu.memory_space<semaphore_mem>>
      tpu.enqueue_dma source(%arg4 : memref<256x128xf32, #tpu.memory_space<hbm>>) target(%arg8 : memref<256x128xf32, #tpu.memory_space<vmem>>) target_semaphore(%run_scoped3A : memref<!tpu.dma_semaphore, #tpu.memory_space<semaphore_mem>>)
      tpu.wait_dma2 semaphore(%run_scoped3A : memref<!tpu.dma_semaphore, #tpu.memory_space<semaphore_mem>>) src(%arg4 : memref<256x128xf32, #tpu.memory_space<hbm>>) dst(%arg8 : memref<256x128xf32, #tpu.memory_space<vmem>>)
      tpu.yield
    }) : () -> ()
    %add3A = arith.constant 0 : i32
    %add3A_1 = arith.addi %mul3A_0, %add3A : i32
    "tpu.region"() ({
      %run_scoped3A = tpu.sem_alloc : memref<!tpu.dma_semaphore, #tpu.memory_space<semaphore_mem>>
      %dma_start3A = arith.constant 0 : i32
      %dma_start3A_12 = tpu.memref_slice %arg6[%add3A_1, %dma_start3A] : memref<10112x128xf32, #tpu.memory_space<vmem_shared>> -> memref<256x128xf32, #tpu.memory_space<vmem_shared>>
      %dma_start3A_13 = arith.constant 0 : i32
      %dma_start3A_14 = tpu.memref_slice %arg6[%add3A_1, %dma_start3A_13] : memref<10112x128xf32, #tpu.memory_space<vmem_shared>> -> memref<256x128xf32, #tpu.memory_space<vmem_shared>>
      tpu.enqueue_dma source(%arg8 : memref<256x128xf32, #tpu.memory_space<vmem>>) target(%dma_start3A_14 : memref<256x128xf32, #tpu.memory_space<vmem_shared>>) target_semaphore(%run_scoped3A : memref<!tpu.dma_semaphore, #tpu.memory_space<semaphore_mem>>)
      %dma_wait3A = arith.constant 0 : i32
      %dma_wait3A_15 = tpu.memref_slice %arg6[%add3A_1, %dma_wait3A] : memref<10112x128xf32, #tpu.memory_space<vmem_shared>> -> memref<256x128xf32, #tpu.memory_space<vmem_shared>>
      %dma_wait3A_16 = arith.constant 0 : i32
      %dma_wait3A_17 = tpu.memref_slice %arg6[%add3A_1, %dma_wait3A_16] : memref<10112x128xf32, #tpu.memory_space<vmem_shared>> -> memref<256x128xf32, #tpu.memory_space<vmem_shared>>
      tpu.wait_dma2 semaphore(%run_scoped3A : memref<!tpu.dma_semaphore, #tpu.memory_space<semaphore_mem>>) src(%arg8 : memref<256x128xf32, #tpu.memory_space<vmem>>) dst(%dma_wait3A_17 : memref<256x128xf32, #tpu.memory_space<vmem_shared>>)
      tpu.yield
    }) : () -> ()
    %add3A_2 = arith.constant 256 : i32
    %add3A_3 = arith.addi %mul3A_0, %add3A_2 : i32
    "tpu.region"() ({
      %run_scoped3A = tpu.sem_alloc : memref<!tpu.dma_semaphore, #tpu.memory_space<semaphore_mem>>
      %dma_start3A = arith.constant 0 : i32
      %dma_start3A_12 = tpu.memref_slice %arg6[%add3A_3, %dma_start3A] : memref<10112x128xf32, #tpu.memory_space<vmem_shared>> -> memref<256x128xf32, #tpu.memory_space<vmem_shared>>
      %dma_start3A_13 = arith.constant 0 : i32
      %dma_start3A_14 = tpu.memref_slice %arg6[%add3A_3, %dma_start3A_13] : memref<10112x128xf32, #tpu.memory_space<vmem_shared>> -> memref<256x128xf32, #tpu.memory_space<vmem_shared>>
      tpu.enqueue_dma source(%arg8 : memref<256x128xf32, #tpu.memory_space<vmem>>) target(%dma_start3A_14 : memref<256x128xf32, #tpu.memory_space<vmem_shared>>) target_semaphore(%run_scoped3A : memref<!tpu.dma_semaphore, #tpu.memory_space<semaphore_mem>>)
      %dma_wait3A = arith.constant 0 : i32
      %dma_wait3A_15 = tpu.memref_slice %arg6[%add3A_3, %dma_wait3A] : memref<10112x128xf32, #tpu.memory_space<vmem_shared>> -> memref<256x128xf32, #tpu.memory_space<vmem_shared>>
      %dma_wait3A_16 = arith.constant 0 : i32
      %dma_wait3A_17 = tpu.memref_slice %arg6[%add3A_3, %dma_wait3A_16] : memref<10112x128xf32, #tpu.memory_space<vmem_shared>> -> memref<256x128xf32, #tpu.memory_space<vmem_shared>>
      tpu.wait_dma2 semaphore(%run_scoped3A : memref<!tpu.dma_semaphore, #tpu.memory_space<semaphore_mem>>) src(%arg8 : memref<256x128xf32, #tpu.memory_space<vmem>>) dst(%dma_wait3A_17 : memref<256x128xf32, #tpu.memory_space<vmem_shared>>)
      tpu.yield
    }) : () -> ()
    %add3A_4 = arith.constant 512 : i32
    %add3A_5 = arith.addi %mul3A_0, %add3A_4 : i32
    "tpu.region"() ({
      %run_scoped3A = tpu.sem_alloc : memref<!tpu.dma_semaphore, #tpu.memory_space<semaphore_mem>>
      %dma_start3A = arith.constant 0 : i32
      %dma_start3A_12 = arith.constant 0 : i32
      %dma_start3A_13 = tpu.memref_slice %arg8[%dma_start3A, %dma_start3A_12] : memref<256x128xf32, #tpu.memory_space<vmem>> -> memref<120x128xf32, #tpu.memory_space<vmem>>
      %dma_start3A_14 = arith.constant 0 : i32
      %dma_start3A_15 = tpu.memref_slice %arg6[%add3A_5, %dma_start3A_14] : memref<10112x128xf32, #tpu.memory_space<vmem_shared>> -> memref<120x128xf32, #tpu.memory_space<vmem_shared>>
      %dma_start3A_16 = arith.constant 0 : i32
      %dma_start3A_17 = tpu.memref_slice %arg6[%add3A_5, %dma_start3A_16] : memref<10112x128xf32, #tpu.memory_space<vmem_shared>> -> memref<120x128xf32, #tpu.memory_space<vmem_shared>>
      %dma_start3A_18 = arith.constant 0 : i32
      %dma_start3A_19 = arith.constant 0 : i32
      %dma_start3A_20 = tpu.memref_slice %arg8[%dma_start3A_18, %dma_start3A_19] : memref<256x128xf32, #tpu.memory_space<vmem>> -> memref<120x128xf32, #tpu.memory_space<vmem>>
      tpu.enqueue_dma source(%dma_start3A_20 : memref<120x128xf32, #tpu.memory_space<vmem>>) target(%dma_start3A_17 : memref<120x128xf32, #tpu.memory_space<vmem_shared>>) target_semaphore(%run_scoped3A : memref<!tpu.dma_semaphore, #tpu.memory_space<semaphore_mem>>)
      %dma_wait3A = arith.constant 0 : i32
      %dma_wait3A_21 = arith.constant 0 : i32
      %dma_wait3A_22 = tpu.memref_slice %arg8[%dma_wait3A, %dma_wait3A_21] : memref<256x128xf32, #tpu.memory_space<vmem>> -> memref<120x128xf32, #tpu.memory_space<vmem>>
      %dma_wait3A_23 = arith.constant 0 : i32
      %dma_wait3A_24 = tpu.memref_slice %arg6[%add3A_5, %dma_wait3A_23] : memref<10112x128xf32, #tpu.memory_space<vmem_shared>> -> memref<120x128xf32, #tpu.memory_space<vmem_shared>>
      %dma_wait3A_25 = arith.constant 0 : i32
      %dma_wait3A_26 = tpu.memref_slice %arg6[%add3A_5, %dma_wait3A_25] : memref<10112x128xf32, #tpu.memory_space<vmem_shared>> -> memref<120x128xf32, #tpu.memory_space<vmem_shared>>
      %dma_wait3A_27 = arith.constant 0 : i32
      %dma_wait3A_28 = arith.constant 0 : i32
      %dma_wait3A_29 = tpu.memref_slice %arg8[%dma_wait3A_27, %dma_wait3A_28] : memref<256x128xf32, #tpu.memory_space<vmem>> -> memref<120x128xf32, #tpu.memory_space<vmem>>
      tpu.wait_dma2 semaphore(%run_scoped3A : memref<!tpu.dma_semaphore, #tpu.memory_space<semaphore_mem>>) src(%dma_wait3A_29 : memref<120x128xf32, #tpu.memory_space<vmem>>) dst(%dma_wait3A_26 : memref<120x128xf32, #tpu.memory_space<vmem_shared>>)
      tpu.yield
    }) : () -> ()
    %barrier3A = arith.constant 0 : index
    tpu.barrier barrier_id(%barrier3A)
    %scan3A = arith.constant 0 : i32
    %scan3A_6 = arith.constant 0 : i32
    %scan3A_7 = arith.constant 40 : i32
    %scan3A_8 = arith.addi %scan3A_6, %scan3A_7 : i32
    %scan3A_9 = arith.constant 1 : i32
    scf.for %scan3A_12 = %scan3A_6 to %scan3A_8 step %scan3A_9  : i32 {
      "tpu.region"() ({
        %run_scoped3A_33 = tpu.sem_alloc : memref<!tpu.dma_semaphore, #tpu.memory_space<semaphore_mem>>
        %dma_start3A_34 = arith.constant 0 : i32
        %dma_start3A_35 = arith.constant 0 : i32
        %dma_start3A_36 = tpu.memref_slice %arg3[%arg1, %scan3A_12, %dma_start3A_34, %dma_start3A_35] : memref<16x40x2x256xi32, #tpu.memory_space<hbm>> -> memref<1x1x2x256xi32, #tpu.memory_space<hbm>>
        %dma_start3A_37 = tpu.memref_squeeze %dma_start3A_36 : memref<1x1x2x256xi32, #tpu.memory_space<hbm>> -> memref<2x256xi32, #tpu.memory_space<hbm>>
        %dma_start3A_38 = arith.constant 0 : i32
        %dma_start3A_39 = arith.constant 0 : i32
        %dma_start3A_40 = tpu.memref_slice %arg3[%arg1, %scan3A_12, %dma_start3A_38, %dma_start3A_39] : memref<16x40x2x256xi32, #tpu.memory_space<hbm>> -> memref<1x1x2x256xi32, #tpu.memory_space<hbm>>
        %dma_start3A_41 = tpu.memref_squeeze %dma_start3A_40 : memref<1x1x2x256xi32, #tpu.memory_space<hbm>> -> memref<2x256xi32, #tpu.memory_space<hbm>>
        tpu.enqueue_dma source(%dma_start3A_41 : memref<2x256xi32, #tpu.memory_space<hbm>>) target(%arg7 : memref<2x256xi32, #tpu.memory_space<vmem>>) target_semaphore(%run_scoped3A_33 : memref<!tpu.dma_semaphore, #tpu.memory_space<semaphore_mem>>)
        %dma_wait3A_42 = arith.constant 0 : i32
        %dma_wait3A_43 = arith.constant 0 : i32
        %dma_wait3A_44 = tpu.memref_slice %arg3[%arg1, %scan3A_12, %dma_wait3A_42, %dma_wait3A_43] : memref<16x40x2x256xi32, #tpu.memory_space<hbm>> -> memref<1x1x2x256xi32, #tpu.memory_space<hbm>>
        %dma_wait3A_45 = tpu.memref_squeeze %dma_wait3A_44 : memref<1x1x2x256xi32, #tpu.memory_space<hbm>> -> memref<2x256xi32, #tpu.memory_space<hbm>>
        %dma_wait3A_46 = arith.constant 0 : i32
        %dma_wait3A_47 = arith.constant 0 : i32
        %dma_wait3A_48 = tpu.memref_slice %arg3[%arg1, %scan3A_12, %dma_wait3A_46, %dma_wait3A_47] : memref<16x40x2x256xi32, #tpu.memory_space<hbm>> -> memref<1x1x2x256xi32, #tpu.memory_space<hbm>>
        %dma_wait3A_49 = tpu.memref_squeeze %dma_wait3A_48 : memref<1x1x2x256xi32, #tpu.memory_space<hbm>> -> memref<2x256xi32, #tpu.memory_space<hbm>>
        tpu.wait_dma2 semaphore(%run_scoped3A_33 : memref<!tpu.dma_semaphore, #tpu.memory_space<semaphore_mem>>) src(%dma_wait3A_49 : memref<2x256xi32, #tpu.memory_space<hbm>>) dst(%arg7 : memref<2x256xi32, #tpu.memory_space<vmem>>)
        tpu.yield
      }) : () -> ()
      %dma_start3A = arith.constant 0 : i32
      %dma_start3A_13 = arith.constant 0 : i32
      %dma_start3A_14 = tpu.memref_slice %arg7[%dma_start3A, %dma_start3A_13] : memref<2x256xi32, #tpu.memory_space<vmem>> -> memref<1x256xi32, #tpu.memory_space<vmem>>
      %dma_start3A_15 = tpu.memref_squeeze %dma_start3A_14 : memref<1x256xi32, #tpu.memory_space<vmem>> -> memref<256xi32, #tpu.memory_space<vmem>>
      %dma_start3A_16 = arith.constant 0 : i32
      %dma_start3A_17 = arith.constant 0 : i32
      %dma_start3A_18 = tpu.memref_slice %arg2[%arg0, %dma_start3A_16, %dma_start3A_17] : memref<2x10000x128xf32, #tpu.memory_space<hbm>> -> memref<1x10000x128xf32, #tpu.memory_space<hbm>>
      %dma_start3A_19 = tpu.memref_squeeze %dma_start3A_18 : memref<1x10000x128xf32, #tpu.memory_space<hbm>> -> memref<10000x128xf32, #tpu.memory_space<hbm>>
      %dma_start3A_20 = arith.constant 0 : i32
      %dma_start3A_21 = arith.constant 0 : i32
      %dma_start3A_22 = tpu.memref_slice %dma_start3A_19[%dma_start3A_20, %dma_start3A_21] : memref<10000x128xf32, #tpu.memory_space<hbm>> -> memref<10000x128xf32, #tpu.memory_space<hbm>>
      tpu.enqueue_indirect_dma source(%dma_start3A_22 : memref<10000x128xf32, #tpu.memory_space<hbm>>) target(%arg8 : memref<256x128xf32, #tpu.memory_space<vmem>>) offsets(%dma_start3A_15 : memref<256xi32, #tpu.memory_space<vmem>>) semaphore(%arg9 : memref<!tpu.dma_semaphore, #tpu.memory_space<semaphore_mem>>)
      %dma_wait3A = arith.constant 0 : i32
      %dma_wait3A_23 = arith.constant 0 : i32
      %dma_wait3A_24 = tpu.memref_slice %arg7[%dma_wait3A, %dma_wait3A_23] : memref<2x256xi32, #tpu.memory_space<vmem>> -> memref<1x256xi32, #tpu.memory_space<vmem>>
      %dma_wait3A_25 = tpu.memref_squeeze %dma_wait3A_24 : memref<1x256xi32, #tpu.memory_space<vmem>> -> memref<256xi32, #tpu.memory_space<vmem>>
      %dma_wait3A_26 = arith.constant 0 : i32
      %dma_wait3A_27 = arith.constant 0 : i32
      %dma_wait3A_28 = tpu.memref_slice %arg2[%arg0, %dma_wait3A_26, %dma_wait3A_27] : memref<2x10000x128xf32, #tpu.memory_space<hbm>> -> memref<1x10000x128xf32, #tpu.memory_space<hbm>>
      %dma_wait3A_29 = tpu.memref_squeeze %dma_wait3A_28 : memref<1x10000x128xf32, #tpu.memory_space<hbm>> -> memref<10000x128xf32, #tpu.memory_space<hbm>>
      %dma_wait3A_30 = arith.constant 0 : i32
      %dma_wait3A_31 = arith.constant 0 : i32
      %dma_wait3A_32 = tpu.memref_slice %dma_wait3A_29[%dma_wait3A_30, %dma_wait3A_31] : memref<10000x128xf32, #tpu.memory_space<hbm>> -> memref<10000x128xf32, #tpu.memory_space<hbm>>
      tpu.wait_indirect_dma semaphore(%arg9 : memref<!tpu.dma_semaphore, #tpu.memory_space<semaphore_mem>>) src(%dma_wait3A_32 : memref<10000x128xf32, #tpu.memory_space<hbm>>) dst(%arg8 : memref<256x128xf32, #tpu.memory_space<vmem>>)
      %run_scoped3A = arith.constant 1 : i32
      "tpu.region"() ({
        %run_scoped3A_33 = tpu.sem_alloc : memref<!tpu.dma_semaphore, #tpu.memory_space<semaphore_mem>>
        %dma_start3A_34 = arith.constant 0 : i32
        %dma_start3A_35 = tpu.memref_slice %arg7[%run_scoped3A, %dma_start3A_34] : memref<2x256xi32, #tpu.memory_space<vmem>> -> memref<1x256xi32, #tpu.memory_space<vmem>>
        %dma_start3A_36 = tpu.memref_squeeze %dma_start3A_35 : memref<1x256xi32, #tpu.memory_space<vmem>> -> memref<256xi32, #tpu.memory_space<vmem>>
        %dma_start3A_37 = arith.constant 0 : i32
        %dma_start3A_38 = arith.constant 0 : i32
        %dma_start3A_39 = tpu.memref_slice %arg6[%dma_start3A_37, %dma_start3A_38] : memref<10112x128xf32, #tpu.memory_space<vmem_shared>> -> memref<10112x128xf32, #tpu.memory_space<vmem_shared>>
        tpu.enqueue_indirect_dma source(%arg8 : memref<256x128xf32, #tpu.memory_space<vmem>>) target(%dma_start3A_39 : memref<10112x128xf32, #tpu.memory_space<vmem_shared>>) offsets(%dma_start3A_36 : memref<256xi32, #tpu.memory_space<vmem>>) semaphore(%run_scoped3A_33 : memref<!tpu.dma_semaphore, #tpu.memory_space<semaphore_mem>>) {add = true}
        %dma_wait3A_40 = arith.constant 0 : i32
        %dma_wait3A_41 = tpu.memref_slice %arg7[%run_scoped3A, %dma_wait3A_40] : memref<2x256xi32, #tpu.memory_space<vmem>> -> memref<1x256xi32, #tpu.memory_space<vmem>>
        %dma_wait3A_42 = tpu.memref_squeeze %dma_wait3A_41 : memref<1x256xi32, #tpu.memory_space<vmem>> -> memref<256xi32, #tpu.memory_space<vmem>>
        %dma_wait3A_43 = arith.constant 0 : i32
        %dma_wait3A_44 = arith.constant 0 : i32
        %dma_wait3A_45 = tpu.memref_slice %arg6[%dma_wait3A_43, %dma_wait3A_44] : memref<10112x128xf32, #tpu.memory_space<vmem_shared>> -> memref<10112x128xf32, #tpu.memory_space<vmem_shared>>
        tpu.wait_indirect_dma semaphore(%run_scoped3A_33 : memref<!tpu.dma_semaphore, #tpu.memory_space<semaphore_mem>>) src(%arg8 : memref<256x128xf32, #tpu.memory_space<vmem>>) dst(%dma_wait3A_45 : memref<10112x128xf32, #tpu.memory_space<vmem_shared>>)
        tpu.yield
      }) : () -> ()
    }
    %scan3A_10 = arith.constant 40 : i32
    %barrier3A_11 = arith.constant 0 : index
    tpu.barrier barrier_id(%barrier3A_11)
    "tpu.region"() ({
      %run_scoped3A = tpu.sem_alloc : memref<!tpu.dma_semaphore, #tpu.memory_space<semaphore_mem>>
      %dma_start3A = arith.constant 0 : i32
      %dma_start3A_12 = tpu.memref_slice %arg5[%arg0, %mul3A_0, %dma_start3A] : memref<2x10112x128xf32, #tpu.memory_space<hbm>> -> memref<1x632x128xf32, #tpu.memory_space<hbm>>
      %dma_start3A_13 = tpu.memref_squeeze %dma_start3A_12 : memref<1x632x128xf32, #tpu.memory_space<hbm>> -> memref<632x128xf32, #tpu.memory_space<hbm>>
      %dma_start3A_14 = arith.constant 0 : i32
      %dma_start3A_15 = tpu.memref_slice %arg6[%mul3A_0, %dma_start3A_14] : memref<10112x128xf32, #tpu.memory_space<vmem_shared>> -> memref<632x128xf32, #tpu.memory_space<vmem_shared>>
      tpu.enqueue_dma source(%dma_start3A_15 : memref<632x128xf32, #tpu.memory_space<vmem_shared>>) target(%dma_start3A_13 : memref<632x128xf32, #tpu.memory_space<hbm>>) target_semaphore(%run_scoped3A : memref<!tpu.dma_semaphore, #tpu.memory_space<semaphore_mem>>)
      %dma_wait3A = arith.constant 0 : i32
      %dma_wait3A_16 = tpu.memref_slice %arg5[%arg0, %mul3A_0, %dma_wait3A] : memref<2x10112x128xf32, #tpu.memory_space<hbm>> -> memref<1x632x128xf32, #tpu.memory_space<hbm>>
      %dma_wait3A_17 = tpu.memref_squeeze %dma_wait3A_16 : memref<1x632x128xf32, #tpu.memory_space<hbm>> -> memref<632x128xf32, #tpu.memory_space<hbm>>
      %dma_wait3A_18 = arith.constant 0 : i32
      %dma_wait3A_19 = tpu.memref_slice %arg6[%mul3A_0, %dma_wait3A_18] : memref<10112x128xf32, #tpu.memory_space<vmem_shared>> -> memref<632x128xf32, #tpu.memory_space<vmem_shared>>
      tpu.wait_dma2 semaphore(%run_scoped3A : memref<!tpu.dma_semaphore, #tpu.memory_space<semaphore_mem>>) src(%dma_wait3A_19 : memref<632x128xf32, #tpu.memory_space<vmem_shared>>) dst(%dma_wait3A_17 : memref<632x128xf32, #tpu.memory_space<hbm>>)
      tpu.yield
    }) : () -> ()
    return
  }
}

module attributes {stable_mosaic.version = 14 : i64} {
  func.func @_tc_self_body(%arg0: i32, %arg1: memref<2000x256xf32, #tpu.memory_space<vmem>>, %arg2: memref<256x256xf32, #tpu.memory_space<vmem>>, %arg3: memref<1x256xf32, #tpu.memory_space<vmem>>, %arg4: memref<2000x256xf32, #tpu.memory_space<vmem>>) attributes {dimension_semantics = [#tpu.dimension_semantics<arbitrary>], iteration_bounds = array<i64: 5>, scalar_prefetch = 0 : i64, scratch_operands = 0 : i64, tpu.core_type = #tpu.core_type<tc>, window_params = [{transform_indices = @transform_0, window_bounds = array<i64: 2000, 256>}, {pipeline_mode = #tpu.pipeline_mode<synchronous>, transform_indices = @transform_1, window_bounds = array<i64: 256, 256>}, {pipeline_mode = #tpu.pipeline_mode<synchronous>, transform_indices = @transform_2, window_bounds = array<i64: 1, 256>}, {transform_indices = @transform_3, window_bounds = array<i64: 2000, 256>}]} {
    %get3A = arith.constant 0 : index
    %get3A_0 = arith.constant 0 : index
    %get3A_1 = vector.load %arg1[%get3A, %get3A_0] : memref<2000x256xf32, #tpu.memory_space<vmem>>, vector<2000x256xf32>
    %get3A_2 = arith.constant 0 : index
    %get3A_3 = arith.constant 0 : index
    %get3A_4 = vector.load %arg2[%get3A_2, %get3A_3] : memref<256x256xf32, #tpu.memory_space<vmem>>, vector<256x256xf32>
    %dot_general3A = arith.constant dense<0.000000e+00> : vector<2000x256xf32>
    %dot_general3A_5 = tpu.matmul %get3A_1, %get3A_4, %dot_general3A {dimension_numbers = #tpu.dot_dimension_numbers<[1], [0], [0], [1], [0, 0, 1, 1], [], []>, transpose_lhs_hint = false} : vector<2000x256xf32>, vector<256x256xf32>, vector<2000x256xf32> -> vector<2000x256xf32>
    %get3A_6 = arith.constant 0 : index
    %get3A_7 = arith.constant 0 : index
    %get3A_8 = vector.load %arg3[%get3A_6, %get3A_7] : memref<1x256xf32, #tpu.memory_space<vmem>>, vector<1x256xf32>
    %add3A = vector.broadcast %get3A_8 : vector<1x256xf32> to vector<2000x256xf32>
    %add3A_9 = arith.addf %dot_general3A_5, %add3A : vector<2000x256xf32>
    %swap3A = arith.constant 0 : index
    %swap3A_10 = arith.constant 0 : index
    %swap3A_11 = vector.load %arg4[%swap3A, %swap3A_10] : memref<2000x256xf32, #tpu.memory_space<vmem>>, vector<2000x256xf32>
    tpu.vector_store %arg4[%swap3A, %swap3A_10], %add3A_9 {strides = array<i32>} : memref<2000x256xf32, #tpu.memory_space<vmem>>, vector<2000x256xf32>,
    return
  }
  func.func @transform_0(%arg0: i32) -> (i32, i32) {
    %c0_i32 = arith.constant 0 : i32
    %c0_i32_0 = arith.constant 0 : i32
    return %arg0, %c0_i32 : i32, i32
  }
  func.func @transform_1(%arg0: i32) -> (i32, i32) {
    %c0_i32 = arith.constant 0 : i32
    %c0_i32_0 = arith.constant 0 : i32
    %c0_i32_1 = arith.constant 0 : i32
    return %c0_i32, %c0_i32_0 : i32, i32
  }
  func.func @transform_2(%arg0: i32) -> (i32, i32) {
    %c0_i32 = arith.constant 0 : i32
    %c0_i32_0 = arith.constant 0 : i32
    %c0_i32_1 = arith.constant 0 : i32
    return %c0_i32, %c0_i32_0 : i32, i32
  }
  func.func @transform_3(%arg0: i32) -> (i32, i32) {
    %c0_i32 = arith.constant 0 : i32
    %c0_i32_0 = arith.constant 0 : i32
    return %arg0, %c0_i32 : i32, i32
  }
}

module attributes {stable_mosaic.version = 14 : i64} {
  func.func @_tc_combine_body(%arg0: i32, %arg1: memref<2x2000x128xf32, #tpu.memory_space<vmem>>, %arg2: memref<2x2000x16xf32, #tpu.memory_space<vmem>>, %arg3: memref<2000x256xf32, #tpu.memory_space<vmem>>, %arg4: memref<128x256xf32, #tpu.memory_space<vmem>>, %arg5: memref<128x256xf32, #tpu.memory_space<vmem>>, %arg6: memref<2x2000x128xf32, #tpu.memory_space<vmem>>) attributes {dimension_semantics = [#tpu.dimension_semantics<arbitrary>], iteration_bounds = array<i64: 5>, scalar_prefetch = 0 : i64, scratch_operands = 0 : i64, tpu.core_type = #tpu.core_type<tc>, window_params = [{transform_indices = @transform_0, window_bounds = array<i64: 2, 2000, 128>}, {transform_indices = @transform_1, window_bounds = array<i64: 2, 2000, 16>}, {transform_indices = @transform_2, window_bounds = array<i64: 2000, 256>}, {pipeline_mode = #tpu.pipeline_mode<synchronous>, transform_indices = @transform_3, window_bounds = array<i64: 128, 256>}, {pipeline_mode = #tpu.pipeline_mode<synchronous>, transform_indices = @transform_4, window_bounds = array<i64: 128, 256>}, {transform_indices = @transform_5, window_bounds = array<i64: 2, 2000, 128>}]} {
    %get3A = arith.constant 0 : index
    %get3A_0 = arith.constant 0 : index
    %get3A_1 = arith.constant 0 : index
    %get3A_2 = vector.load %arg2[%get3A, %get3A_0, %get3A_1] : memref<2x2000x16xf32, #tpu.memory_space<vmem>>, vector<1x2000x1xf32>
    %get3A_3 = vector.shape_cast %get3A_2 : vector<1x2000x1xf32> to vector<2000x1xf32>
    %get3A_4 = arith.constant 1 : index
    %get3A_5 = arith.constant 0 : index
    %get3A_6 = arith.constant 0 : index
    %get3A_7 = vector.load %arg2[%get3A_4, %get3A_5, %get3A_6] : memref<2x2000x16xf32, #tpu.memory_space<vmem>>, vector<1x2000x1xf32>
    %get3A_8 = vector.shape_cast %get3A_7 : vector<1x2000x1xf32> to vector<2000x1xf32>
    %add3A = arith.addf %get3A_3, %get3A_8 : vector<2000x1xf32>
    %max3A = arith.constant 1.000000e+00 : f32
    %max3A_9 = vector.broadcast %max3A : f32 to vector<2000x1xf32>
    %max3A_10 = arith.maximumf %add3A, %max3A_9 : vector<2000x1xf32>
    %div3A = arith.constant 1.000000e+00 : f32
    %div3A_11 = vector.broadcast %div3A : f32 to vector<2000x1xf32>
    %div3A_12 = arith.divf %div3A_11, %max3A_10 : vector<2000x1xf32>
    %get3A_13 = arith.constant 0 : index
    %get3A_14 = arith.constant 0 : index
    %get3A_15 = arith.constant 0 : index
    %get3A_16 = vector.load %arg1[%get3A_13, %get3A_14, %get3A_15] : memref<2x2000x128xf32, #tpu.memory_space<vmem>>, vector<1x2000x128xf32>
    %get3A_17 = vector.shape_cast %get3A_16 : vector<1x2000x128xf32> to vector<2000x128xf32>
    %mul3A = vector.broadcast %div3A_12 : vector<2000x1xf32> to vector<2000x128xf32>
    %mul3A_18 = arith.mulf %get3A_17, %mul3A : vector<2000x128xf32>
    %get3A_19 = arith.constant 0 : index
    %get3A_20 = arith.constant 0 : index
    %get3A_21 = vector.load %arg4[%get3A_19, %get3A_20] : memref<128x256xf32, #tpu.memory_space<vmem>>, vector<128x256xf32>
    %dot_general3A = arith.constant dense<0.000000e+00> : vector<2000x256xf32>
    %dot_general3A_22 = tpu.matmul %mul3A_18, %get3A_21, %dot_general3A {dimension_numbers = #tpu.dot_dimension_numbers<[1], [0], [0], [1], [0, 0, 1, 1], [], []>, transpose_lhs_hint = false} : vector<2000x128xf32>, vector<128x256xf32>, vector<2000x256xf32> -> vector<2000x256xf32>
    %get3A_23 = arith.constant 1 : index
    %get3A_24 = arith.constant 0 : index
    %get3A_25 = arith.constant 0 : index
    %get3A_26 = vector.load %arg1[%get3A_23, %get3A_24, %get3A_25] : memref<2x2000x128xf32, #tpu.memory_space<vmem>>, vector<1x2000x128xf32>
    %get3A_27 = vector.shape_cast %get3A_26 : vector<1x2000x128xf32> to vector<2000x128xf32>
    %mul3A_28 = vector.broadcast %div3A_12 : vector<2000x1xf32> to vector<2000x128xf32>
    %mul3A_29 = arith.mulf %get3A_27, %mul3A_28 : vector<2000x128xf32>
    %get3A_30 = arith.constant 0 : index
    %get3A_31 = arith.constant 0 : index
    %get3A_32 = vector.load %arg5[%get3A_30, %get3A_31] : memref<128x256xf32, #tpu.memory_space<vmem>>, vector<128x256xf32>
    %dot_general3A_33 = arith.constant dense<0.000000e+00> : vector<2000x256xf32>
    %dot_general3A_34 = tpu.matmul %mul3A_29, %get3A_32, %dot_general3A_33 {dimension_numbers = #tpu.dot_dimension_numbers<[1], [0], [0], [1], [0, 0, 1, 1], [], []>, transpose_lhs_hint = false} : vector<2000x128xf32>, vector<128x256xf32>, vector<2000x256xf32> -> vector<2000x256xf32>
    %add3A_35 = arith.addf %dot_general3A_22, %dot_general3A_34 : vector<2000x256xf32>
    %get3A_36 = arith.constant 0 : index
    %get3A_37 = arith.constant 0 : index
    %get3A_38 = vector.load %arg3[%get3A_36, %get3A_37] : memref<2000x256xf32, #tpu.memory_space<vmem>>, vector<2000x256xf32>
    %add3A_39 = arith.addf %add3A_35, %get3A_38 : vector<2000x256xf32>
    %max3A_40 = arith.constant 0.000000e+00 : f32
    %max3A_41 = vector.broadcast %max3A_40 : f32 to vector<2000x256xf32>
    %max3A_42 = arith.maximumf %add3A_39, %max3A_41 : vector<2000x256xf32>
    %slice3A = vector.extract_strided_slice %max3A_42 {offsets = [0, 0], sizes = [2000, 128], strides = [1, 1]} : vector<2000x256xf32> to vector<2000x128xf32>
    %swap3A = arith.constant 0 : index
    %swap3A_43 = arith.constant 0 : index
    %swap3A_44 = arith.constant 0 : index
    %swap3A_45 = vector.load %arg6[%swap3A, %swap3A_43, %swap3A_44] : memref<2x2000x128xf32, #tpu.memory_space<vmem>>, vector<1x2000x128xf32>
    %swap3A_46 = vector.shape_cast %swap3A_45 : vector<1x2000x128xf32> to vector<2000x128xf32>
    %swap3A_47 = vector.shape_cast %slice3A : vector<2000x128xf32> to vector<1x2000x128xf32>
    tpu.vector_store %arg6[%swap3A, %swap3A_43, %swap3A_44], %swap3A_47 {strides = array<i32>} : memref<2x2000x128xf32, #tpu.memory_space<vmem>>, vector<1x2000x128xf32>,
    %slice3A_48 = vector.extract_strided_slice %max3A_42 {offsets = [0, 128], sizes = [2000, 128], strides = [1, 1]} : vector<2000x256xf32> to vector<2000x128xf32>
    %swap3A_49 = arith.constant 1 : index
    %swap3A_50 = arith.constant 0 : index
    %swap3A_51 = arith.constant 0 : index
    %swap3A_52 = vector.load %arg6[%swap3A_49, %swap3A_50, %swap3A_51] : memref<2x2000x128xf32, #tpu.memory_space<vmem>>, vector<1x2000x128xf32>
    %swap3A_53 = vector.shape_cast %swap3A_52 : vector<1x2000x128xf32> to vector<2000x128xf32>
    %swap3A_54 = vector.shape_cast %slice3A_48 : vector<2000x128xf32> to vector<1x2000x128xf32>
    tpu.vector_store %arg6[%swap3A_49, %swap3A_50, %swap3A_51], %swap3A_54 {strides = array<i32>} : memref<2x2000x128xf32, #tpu.memory_space<vmem>>, vector<1x2000x128xf32>,
    return
  }
  func.func @transform_0(%arg0: i32) -> (i32, i32, i32) {
    %c0_i32 = arith.constant 0 : i32
    %c0_i32_0 = arith.constant 0 : i32
    %c0_i32_1 = arith.constant 0 : i32
    return %c0_i32, %arg0, %c0_i32_0 : i32, i32, i32
  }
  func.func @transform_1(%arg0: i32) -> (i32, i32, i32) {
    %c0_i32 = arith.constant 0 : i32
    %c0_i32_0 = arith.constant 0 : i32
    %c0_i32_1 = arith.constant 0 : i32
    return %c0_i32, %arg0, %c0_i32_0 : i32, i32, i32
  }
  func.func @transform_2(%arg0: i32) -> (i32, i32) {
    %c0_i32 = arith.constant 0 : i32
    %c0_i32_0 = arith.constant 0 : i32
    return %arg0, %c0_i32 : i32, i32
  }
  func.func @transform_3(%arg0: i32) -> (i32, i32) {
    %c0_i32 = arith.constant 0 : i32
    %c0_i32_0 = arith.constant 0 : i32
    %c0_i32_1 = arith.constant 0 : i32
    return %c0_i32, %c0_i32_0 : i32, i32
  }
  func.func @transform_4(%arg0: i32) -> (i32, i32) {
    %c0_i32 = arith.constant 0 : i32
    %c0_i32_0 = arith.constant 0 : i32
    %c0_i32_1 = arith.constant 0 : i32
    return %c0_i32, %c0_i32_0 : i32, i32
  }
  func.func @transform_5(%arg0: i32) -> (i32, i32, i32) {
    %c0_i32 = arith.constant 0 : i32
    %c0_i32_0 = arith.constant 0 : i32
    %c0_i32_1 = arith.constant 0 : i32
    return %c0_i32, %arg0, %c0_i32_0 : i32, i32, i32
  }
}

module attributes {stable_mosaic.version = 14 : i64} {
  func.func @_tc_self2_body(%arg0: i32, %arg1: memref<2x2000x128xf32, #tpu.memory_space<vmem>>, %arg2: memref<128x256xf32, #tpu.memory_space<vmem>>, %arg3: memref<128x256xf32, #tpu.memory_space<vmem>>, %arg4: memref<1x256xf32, #tpu.memory_space<vmem>>, %arg5: memref<2000x256xf32, #tpu.memory_space<vmem>>) attributes {dimension_semantics = [#tpu.dimension_semantics<arbitrary>], iteration_bounds = array<i64: 5>, scalar_prefetch = 0 : i64, scratch_operands = 0 : i64, tpu.core_type = #tpu.core_type<tc>, window_params = [{transform_indices = @transform_0, window_bounds = array<i64: 2, 2000, 128>}, {pipeline_mode = #tpu.pipeline_mode<synchronous>, transform_indices = @transform_1, window_bounds = array<i64: 128, 256>}, {pipeline_mode = #tpu.pipeline_mode<synchronous>, transform_indices = @transform_2, window_bounds = array<i64: 128, 256>}, {pipeline_mode = #tpu.pipeline_mode<synchronous>, transform_indices = @transform_3, window_bounds = array<i64: 1, 256>}, {transform_indices = @transform_4, window_bounds = array<i64: 2000, 256>}]} {
    %get3A = arith.constant 0 : index
    %get3A_0 = arith.constant 0 : index
    %get3A_1 = arith.constant 0 : index
    %get3A_2 = vector.load %arg1[%get3A, %get3A_0, %get3A_1] : memref<2x2000x128xf32, #tpu.memory_space<vmem>>, vector<1x2000x128xf32>
    %get3A_3 = vector.shape_cast %get3A_2 : vector<1x2000x128xf32> to vector<2000x128xf32>
    %get3A_4 = arith.constant 0 : index
    %get3A_5 = arith.constant 0 : index
    %get3A_6 = vector.load %arg2[%get3A_4, %get3A_5] : memref<128x256xf32, #tpu.memory_space<vmem>>, vector<128x256xf32>
    %dot_general3A = arith.constant dense<0.000000e+00> : vector<2000x256xf32>
    %dot_general3A_7 = tpu.matmul %get3A_3, %get3A_6, %dot_general3A {dimension_numbers = #tpu.dot_dimension_numbers<[1], [0], [0], [1], [0, 0, 1, 1], [], []>, transpose_lhs_hint = false} : vector<2000x128xf32>, vector<128x256xf32>, vector<2000x256xf32> -> vector<2000x256xf32>
    %get3A_8 = arith.constant 1 : index
    %get3A_9 = arith.constant 0 : index
    %get3A_10 = arith.constant 0 : index
    %get3A_11 = vector.load %arg1[%get3A_8, %get3A_9, %get3A_10] : memref<2x2000x128xf32, #tpu.memory_space<vmem>>, vector<1x2000x128xf32>
    %get3A_12 = vector.shape_cast %get3A_11 : vector<1x2000x128xf32> to vector<2000x128xf32>
    %get3A_13 = arith.constant 0 : index
    %get3A_14 = arith.constant 0 : index
    %get3A_15 = vector.load %arg3[%get3A_13, %get3A_14] : memref<128x256xf32, #tpu.memory_space<vmem>>, vector<128x256xf32>
    %dot_general3A_16 = arith.constant dense<0.000000e+00> : vector<2000x256xf32>
    %dot_general3A_17 = tpu.matmul %get3A_12, %get3A_15, %dot_general3A_16 {dimension_numbers = #tpu.dot_dimension_numbers<[1], [0], [0], [1], [0, 0, 1, 1], [], []>, transpose_lhs_hint = false} : vector<2000x128xf32>, vector<128x256xf32>, vector<2000x256xf32> -> vector<2000x256xf32>
    %add3A = arith.addf %dot_general3A_7, %dot_general3A_17 : vector<2000x256xf32>
    %get3A_18 = arith.constant 0 : index
    %get3A_19 = arith.constant 0 : index
    %get3A_20 = vector.load %arg4[%get3A_18, %get3A_19] : memref<1x256xf32, #tpu.memory_space<vmem>>, vector<1x256xf32>
    %add3A_21 = vector.broadcast %get3A_20 : vector<1x256xf32> to vector<2000x256xf32>
    %add3A_22 = arith.addf %add3A, %add3A_21 : vector<2000x256xf32>
    %swap3A = arith.constant 0 : index
    %swap3A_23 = arith.constant 0 : index
    %swap3A_24 = vector.load %arg5[%swap3A, %swap3A_23] : memref<2000x256xf32, #tpu.memory_space<vmem>>, vector<2000x256xf32>
    tpu.vector_store %arg5[%swap3A, %swap3A_23], %add3A_22 {strides = array<i32>} : memref<2000x256xf32, #tpu.memory_space<vmem>>, vector<2000x256xf32>,
    return
  }
  func.func @transform_0(%arg0: i32) -> (i32, i32, i32) {
    %c0_i32 = arith.constant 0 : i32
    %c0_i32_0 = arith.constant 0 : i32
    %c0_i32_1 = arith.constant 0 : i32
    return %c0_i32, %arg0, %c0_i32_0 : i32, i32, i32
  }
  func.func @transform_1(%arg0: i32) -> (i32, i32) {
    %c0_i32 = arith.constant 0 : i32
    %c0_i32_0 = arith.constant 0 : i32
    %c0_i32_1 = arith.constant 0 : i32
    return %c0_i32, %c0_i32_0 : i32, i32
  }
  func.func @transform_2(%arg0: i32) -> (i32, i32) {
    %c0_i32 = arith.constant 0 : i32
    %c0_i32_0 = arith.constant 0 : i32
    %c0_i32_1 = arith.constant 0 : i32
    return %c0_i32, %c0_i32_0 : i32, i32
  }
  func.func @transform_3(%arg0: i32) -> (i32, i32) {
    %c0_i32 = arith.constant 0 : i32
    %c0_i32_0 = arith.constant 0 : i32
    %c0_i32_1 = arith.constant 0 : i32
    return %c0_i32, %c0_i32_0 : i32, i32
  }
  func.func @transform_4(%arg0: i32) -> (i32, i32) {
    %c0_i32 = arith.constant 0 : i32
    %c0_i32_0 = arith.constant 0 : i32
    return %arg0, %c0_i32 : i32, i32
  }
}

module attributes {stable_mosaic.version = 14 : i64} {
  func.func @_tc_combine_body(%arg0: i32, %arg1: memref<2x2000x128xf32, #tpu.memory_space<vmem>>, %arg2: memref<2x2000x16xf32, #tpu.memory_space<vmem>>, %arg3: memref<2000x256xf32, #tpu.memory_space<vmem>>, %arg4: memref<128x256xf32, #tpu.memory_space<vmem>>, %arg5: memref<128x256xf32, #tpu.memory_space<vmem>>, %arg6: memref<2000x256xf32, #tpu.memory_space<vmem>>) attributes {dimension_semantics = [#tpu.dimension_semantics<arbitrary>], iteration_bounds = array<i64: 5>, scalar_prefetch = 0 : i64, scratch_operands = 0 : i64, tpu.core_type = #tpu.core_type<tc>, window_params = [{transform_indices = @transform_0, window_bounds = array<i64: 2, 2000, 128>}, {transform_indices = @transform_1, window_bounds = array<i64: 2, 2000, 16>}, {transform_indices = @transform_2, window_bounds = array<i64: 2000, 256>}, {pipeline_mode = #tpu.pipeline_mode<synchronous>, transform_indices = @transform_3, window_bounds = array<i64: 128, 256>}, {pipeline_mode = #tpu.pipeline_mode<synchronous>, transform_indices = @transform_4, window_bounds = array<i64: 128, 256>}, {transform_indices = @transform_5, window_bounds = array<i64: 2000, 256>}]} {
    %get3A = arith.constant 0 : index
    %get3A_0 = arith.constant 0 : index
    %get3A_1 = arith.constant 0 : index
    %get3A_2 = vector.load %arg2[%get3A, %get3A_0, %get3A_1] : memref<2x2000x16xf32, #tpu.memory_space<vmem>>, vector<1x2000x1xf32>
    %get3A_3 = vector.shape_cast %get3A_2 : vector<1x2000x1xf32> to vector<2000x1xf32>
    %get3A_4 = arith.constant 1 : index
    %get3A_5 = arith.constant 0 : index
    %get3A_6 = arith.constant 0 : index
    %get3A_7 = vector.load %arg2[%get3A_4, %get3A_5, %get3A_6] : memref<2x2000x16xf32, #tpu.memory_space<vmem>>, vector<1x2000x1xf32>
    %get3A_8 = vector.shape_cast %get3A_7 : vector<1x2000x1xf32> to vector<2000x1xf32>
    %add3A = arith.addf %get3A_3, %get3A_8 : vector<2000x1xf32>
    %max3A = arith.constant 1.000000e+00 : f32
    %max3A_9 = vector.broadcast %max3A : f32 to vector<2000x1xf32>
    %max3A_10 = arith.maximumf %add3A, %max3A_9 : vector<2000x1xf32>
    %div3A = arith.constant 1.000000e+00 : f32
    %div3A_11 = vector.broadcast %div3A : f32 to vector<2000x1xf32>
    %div3A_12 = arith.divf %div3A_11, %max3A_10 : vector<2000x1xf32>
    %get3A_13 = arith.constant 0 : index
    %get3A_14 = arith.constant 0 : index
    %get3A_15 = arith.constant 0 : index
    %get3A_16 = vector.load %arg1[%get3A_13, %get3A_14, %get3A_15] : memref<2x2000x128xf32, #tpu.memory_space<vmem>>, vector<1x2000x128xf32>
    %get3A_17 = vector.shape_cast %get3A_16 : vector<1x2000x128xf32> to vector<2000x128xf32>
    %mul3A = vector.broadcast %div3A_12 : vector<2000x1xf32> to vector<2000x128xf32>
    %mul3A_18 = arith.mulf %get3A_17, %mul3A : vector<2000x128xf32>
    %get3A_19 = arith.constant 0 : index
    %get3A_20 = arith.constant 0 : index
    %get3A_21 = vector.load %arg4[%get3A_19, %get3A_20] : memref<128x256xf32, #tpu.memory_space<vmem>>, vector<128x256xf32>
    %dot_general3A = arith.constant dense<0.000000e+00> : vector<2000x256xf32>
    %dot_general3A_22 = tpu.matmul %mul3A_18, %get3A_21, %dot_general3A {dimension_numbers = #tpu.dot_dimension_numbers<[1], [0], [0], [1], [0, 0, 1, 1], [], []>, transpose_lhs_hint = false} : vector<2000x128xf32>, vector<128x256xf32>, vector<2000x256xf32> -> vector<2000x256xf32>
    %get3A_23 = arith.constant 1 : index
    %get3A_24 = arith.constant 0 : index
    %get3A_25 = arith.constant 0 : index
    %get3A_26 = vector.load %arg1[%get3A_23, %get3A_24, %get3A_25] : memref<2x2000x128xf32, #tpu.memory_space<vmem>>, vector<1x2000x128xf32>
    %get3A_27 = vector.shape_cast %get3A_26 : vector<1x2000x128xf32> to vector<2000x128xf32>
    %mul3A_28 = vector.broadcast %div3A_12 : vector<2000x1xf32> to vector<2000x128xf32>
    %mul3A_29 = arith.mulf %get3A_27, %mul3A_28 : vector<2000x128xf32>
    %get3A_30 = arith.constant 0 : index
    %get3A_31 = arith.constant 0 : index
    %get3A_32 = vector.load %arg5[%get3A_30, %get3A_31] : memref<128x256xf32, #tpu.memory_space<vmem>>, vector<128x256xf32>
    %dot_general3A_33 = arith.constant dense<0.000000e+00> : vector<2000x256xf32>
    %dot_general3A_34 = tpu.matmul %mul3A_29, %get3A_32, %dot_general3A_33 {dimension_numbers = #tpu.dot_dimension_numbers<[1], [0], [0], [1], [0, 0, 1, 1], [], []>, transpose_lhs_hint = false} : vector<2000x128xf32>, vector<128x256xf32>, vector<2000x256xf32> -> vector<2000x256xf32>
    %add3A_35 = arith.addf %dot_general3A_22, %dot_general3A_34 : vector<2000x256xf32>
    %get3A_36 = arith.constant 0 : index
    %get3A_37 = arith.constant 0 : index
    %get3A_38 = vector.load %arg3[%get3A_36, %get3A_37] : memref<2000x256xf32, #tpu.memory_space<vmem>>, vector<2000x256xf32>
    %add3A_39 = arith.addf %add3A_35, %get3A_38 : vector<2000x256xf32>
    %swap3A = arith.constant 0 : index
    %swap3A_40 = arith.constant 0 : index
    %swap3A_41 = vector.load %arg6[%swap3A, %swap3A_40] : memref<2000x256xf32, #tpu.memory_space<vmem>>, vector<2000x256xf32>
    tpu.vector_store %arg6[%swap3A, %swap3A_40], %add3A_39 {strides = array<i32>} : memref<2000x256xf32, #tpu.memory_space<vmem>>, vector<2000x256xf32>,
    return
  }
  func.func @transform_0(%arg0: i32) -> (i32, i32, i32) {
    %c0_i32 = arith.constant 0 : i32
    %c0_i32_0 = arith.constant 0 : i32
    %c0_i32_1 = arith.constant 0 : i32
    return %c0_i32, %arg0, %c0_i32_0 : i32, i32, i32
  }
  func.func @transform_1(%arg0: i32) -> (i32, i32, i32) {
    %c0_i32 = arith.constant 0 : i32
    %c0_i32_0 = arith.constant 0 : i32
    %c0_i32_1 = arith.constant 0 : i32
    return %c0_i32, %arg0, %c0_i32_0 : i32, i32, i32
  }
  func.func @transform_2(%arg0: i32) -> (i32, i32) {
    %c0_i32 = arith.constant 0 : i32
    %c0_i32_0 = arith.constant 0 : i32
    return %arg0, %c0_i32 : i32, i32
  }
  func.func @transform_3(%arg0: i32) -> (i32, i32) {
    %c0_i32 = arith.constant 0 : i32
    %c0_i32_0 = arith.constant 0 : i32
    %c0_i32_1 = arith.constant 0 : i32
    return %c0_i32, %c0_i32_0 : i32, i32
  }
  func.func @transform_4(%arg0: i32) -> (i32, i32) {
    %c0_i32 = arith.constant 0 : i32
    %c0_i32_0 = arith.constant 0 : i32
    %c0_i32_1 = arith.constant 0 : i32
    return %c0_i32, %c0_i32_0 : i32, i32
  }
  func.func @transform_5(%arg0: i32) -> (i32, i32) {
    %c0_i32 = arith.constant 0 : i32
    %c0_i32_0 = arith.constant 0 : i32
    return %arg0, %c0_i32 : i32, i32
  }
}

</mosaic_0001>

<sc_bundles>
// kernel: kernel.11.cloned.1.call-start
scs
__scs_entry_jumppad:
0x0: {  	(pc) =	sbr.rel $0x88, $3  }
0x1: {  	(tag) =	ssettag $0x0;
	lr =	simm.s32 $0x1  }
0x2: {  	[smem:$0x3F99] =	sst lr;
	_ =	strace $0xD0000000  }
0x3: {  	_ = 	snop  }
0x4: {  	_ = 	snop  }
0x5: {  	_ = 	snop  }
0x6: {  	_ = 	snop  }
0x7: {  	_ = 	snop  }
__scs_overlays_trampoline_lowered:
0x8: {  	[smem:$0x3FA8] =	sst s0  }
0x9: {  	[smem:$0x3FA9] =	sst s1  }
0xa: {  	[smem:$0x3FAA] =	sst s2  }
0xb: {  	[smem:$0x3FAB] =	sst s3  }
0xc: {  	[smem:$0x3FAC] =	sst s4  }
0xd: {  	[smem:$0x3FAD] =	sst s5  }
0xe: {  	[smem:$0x3FAE] =	sst s6  }
0xf: {  	[smem:$0x3FAF] =	sst s7  }
0x10: {  	[smem:$0x3FB0] =	sst s8  }
0x11: {  	[smem:$0x3FB1] =	sst s9;
	s0 =	simm.s32 @!p0 $0x0  }
0x12: {  	s1 =	sld [smem:$0x3F97];
	s0 =	simm.s32 @p0 $0x1  }
0x13: {  	[smem:$0x3FB2] =	sst s0;
	s0 =	simm.s32 @!p1 $0x0  }
0x14: {  	s2 =	sld [smem:$0x3F96];
	s0 =	simm.s32 @p1 $0x1  }
0x15: {  	[smem:$0x3FB3] =	sst s0;
	s0 =	simm.s32 @!p2 $0x0  }
0x16: {  	s3 =	sld [smem:$0x3FDB];
	s0 =	simm.s32 @p2 $0x1  }
0x17: {  	s4 =	simm.s32 $0x1BF5;
	[smem:$0x3FB5] =	sst s0  }
0x18: {  	s0 =	sld [smem:$0x3F98];
	_ =	swait.ge [sflag:s4], $0x0  }
0x19: {  	s7 =	sld [smem:$0x3F99]  }
0x1a: {  	s8 =	sadd.s32 $0xFFFFE003, lr  }
0x1b: {  	s9 =	sadd.s32 $0xFFFFFEF7, lr;
	s5 =	simm.s32 $0xFFFFFFFF;
	p2 =	slt.u32 s8, $0xFFFFF086  }
0x1c: {  	p1 =	slt.u32 s9, $0xF7A;
	s5 =	simm.s32 @!p2 $0x0  }
0x1d: {  	s5 =	simm.s32 @p1 $0x1;
	p0 =	seq.s32 s7, s2  }
0x1e: {  	s7 =	smul.u32 @!p0 $0xF7A, s2;
	p2 =	seq.s32 @!p0 s5, $0x0  }
0x1f: {  	s9 =	smul.u32 $0xF7A, s1;
	s8 =	simm.s32 @!p0 $0x1BF5;
	p2 =	por !p2, p0  }
0x20: {  	[sflag:s8] =	ssyncset.s32 @!p0 $0xFFFFF086;
	s6 =	sadd.s32 @!p0 s3, s7;
	s7 =	simm.s32 @!p0 $0x108  }
0x21: {  	s3 =	sadd.s32 s3, s9;
	s6 =	sadd.s32 @!p0 $0x88, s6;
	s7 =	simm.s32 @p2 $0x1082  }
0x22: {  	[simem:s7], [sflag:s8] =	dma.local @!p0 [hbm:s6], $0xF7A  }
0x23: {  	s9 =	sor.u32 $0xD0000000, s2;
	s6 =	simm.s32 $0x108;
	_ =	swait.ge @!p0 [sflag:s8], $0x0  }
0x24: {  	s3 =	sadd.s32 $0x88, s3;
	s6 =	simm.s32 @!p1 $0x1082;
	[sflag:s4] =	ssyncset.s32 $0xFFFFF086  }
0x25: {  	[simem:s6], [sflag:s4] =	dma.local [hbm:s3], $0xF7A  }
0x26: {  	[smem:$0x3F99] =	sst s1;
	(tag) =	ssettag s2;
	_ =	strace s9  }
0x27: {  	s1 =	sld [smem:$0x3FA9]  }
0x28: {  	s2 =	sld [smem:$0x3FAA]  }
0x29: {  	s4 =	sld [smem:$0x3FAC]  }
0x2a: {  	p0 =	seq.s32 s5, $0x0;
	s5 =	sld [smem:$0x3FAD]  }
0x2b: {  	s6 =	sld [smem:$0x3FAE]  }
0x2c: {  	s7 =	sld [smem:$0x3FAF]  }
0x2d: {  	s3 =	simm.s32 $0x108;
	s8 =	sld [smem:$0x3FB0]  }
0x2e: {  	s3 =	simm.s32 @!p0 $0x1082;
	s9 =	sld [smem:$0x3FB1]  }
0x2f: {  	lr =	sadd.s32 s0, s3;
	s0 =	sld [smem:$0x3FA8]  }
0x30: {  	s3 =	sld [smem:$0x3FAB]  }
0x31: {  	[smem:$0x3FB4] =	sst s10  }
0x32: {  	s10 =	sld [smem:$0x3FB2];
	_ =	sdelay $0x3  }
0x33: {  	p0 =	seq.s32 s10, $0x1;
	s10 =	sld [smem:$0x3FB4];
	_ =	sdelay $0x3  }
0x34: {  	[smem:$0x3FB4] =	sst s10  }
0x35: {  	s10 =	sld [smem:$0x3FB3];
	_ =	sdelay $0x3  }
0x36: {  	p1 =	seq.s32 s10, $0x1;
	s10 =	sld [smem:$0x3FB4];
	_ =	sdelay $0x3  }
0x37: {  	[smem:$0x3FB4] =	sst s10  }
0x38: {  	s10 =	sld [smem:$0x3FB5]  }
0x39: {  	_ = 	snop;
	(pc) =	sbr.ind lr, $3  }
0x3a: {  	_ = 	snop  }
0x3b: {  	_ = 	snop  }
0x3c: {  	p2 =	seq.s32 s10, $0x1;
	s10 =	sld [smem:$0x3FB4]  }
0x3d: {  	_ =	shalt  }
0x3e: {  	_ =	shalt  }
0x3f: {  	_ =	shalt  }
0x40: {  	_ =	shalt  }
0x41: {  	_ =	shalt  }
0x42: {  	_ =	shalt  }
0x43: {  	_ =	shalt  }
0x44: {  	_ =	shalt  }
0x45: {  	_ =	shalt  }
0x46: {  	_ =	shalt  }
0x47: {  	_ =	shalt  }
0x48: {  	_ =	shalt  }
0x49: {  	_ =	shalt  }
0x4a: {  	_ =	shalt  }
0x4b: {  	_ =	shalt  }
0x4c: {  	_ =	shalt  }
0x4d: {  	_ =	shalt  }
0x4e: {  	_ =	shalt  }
0x4f: {  	_ =	shalt  }
0x50: {  	_ =	shalt  }
0x51: {  	_ =	shalt  }
0x52: {  	_ =	shalt  }
0x53: {  	_ =	shalt  }
0x54: {  	_ =	shalt  }
0x55: {  	_ =	shalt  }
0x56: {  	_ =	shalt  }
0x57: {  	_ =	shalt  }
0x58: {  	_ =	shalt  }
0x59: {  	_ =	shalt  }
0x5a: {  	_ =	shalt  }
0x5b: {  	_ =	shalt  }
0x5c: {  	_ =	shalt  }
0x5d: {  	_ =	shalt  }
0x5e: {  	_ =	shalt  }
0x5f: {  	_ =	shalt  }
0x60: {  	_ =	shalt  }
0x61: {  	_ =	shalt  }
0x62: {  	_ =	shalt  }
0x63: {  	_ =	shalt  }
0x64: {  	_ =	shalt  }
0x65: {  	_ =	shalt  }
0x66: {  	_ =	shalt  }
0x67: {  	_ =	shalt  }
0x68: {  	_ =	shalt  }
0x69: {  	_ =	shalt  }
0x6a: {  	_ =	shalt  }
0x6b: {  	_ =	shalt  }
0x6c: {  	_ =	shalt  }
0x6d: {  	_ =	shalt  }
0x6e: {  	_ =	shalt  }
0x6f: {  	_ =	shalt  }
0x70: {  	_ =	shalt  }
0x71: {  	_ =	shalt  }
0x72: {  	_ =	shalt  }
0x73: {  	_ =	shalt  }
0x74: {  	_ =	shalt  }
0x75: {  	_ =	shalt  }
0x76: {  	_ =	shalt  }
0x77: {  	_ =	shalt  }
0x78: {  	_ =	shalt  }
0x79: {  	_ =	shalt  }
0x7a: {  	_ =	shalt  }
0x7b: {  	_ =	shalt  }
0x7c: {  	_ =	shalt  }
0x7d: {  	_ =	shalt  }
0x7e: {  	_ =	shalt  }
0x7f: {  	_ =	shalt  }
0x80: {  	_ =	shalt  }
0x81: {  	_ =	shalt  }
0x82: {  	_ =	shalt  }
0x83: {  	_ =	shalt  }
0x84: {  	_ =	shalt  }
0x85: {  	_ =	shalt  }
0x86: {  	_ =	shalt  }
0x87: {  	_ =	shalt  }
.Lfunc_end0:
.L_simem_size_0:
called_computation.1_lowered:
.L_overlay_start_0:
0x88: {  	s2 =	sld [smem:$0x3FD9]  }
0x89: {  	s3 =	sld [smem:$0x3FFE];
	_ =	sdelay $0x1  }
0x8a: {  	s1 =	srdreg.scid  }
0x8b: {  	s0 =	sand.u32 $0x1, s1  }
0x8c: {  	s17 =	sshll.u32 s0, $0xA;
	s2 =	sadd.s32 s3, s2  }
0x8d: {  	s2 =	sadd.s32 s2, s17  }
0x8e: {  	[smem:$0x3FC0] =	sst s2  }
0x8f: {  	_ = 	snop  }
0x90: {  	s2 =	sld [smem:$0x3FD0];
	(tm) =	ssettm $0x1  }
0x91: {  	s18 =	sld [smem:$0x3FFB];
	_ =	sdelay $0x3  }
0x92: {  	_ =	strace s18  }
0x93: {  	s3 =	sld [smem:$0x3FFC];
	_ =	sdelay $0x3  }
0x94: {  	_ =	strace s3  }
0x95: {  	s3 =	sld [smem:$0x3FFD];
	_ =	sdelay $0x3  }
0x96: {  	_ =	strace s3  }
0x97: {  	_ =	strace $0x8FFFFFFF  }
0x98: {  	s19 =	sld [smem:$0x3FDB];
	_ =	sdelay $0x1  }
0x99: {  	s4 =	simm.s32 $_scs_section_size  }
0x9a: {  	s5 =	simm.s32 $_size__tile_overlayer_lowered;
	s6 =	simm.s32 $_tile_overlayer_lowered  }
0x9b: {  	s22 =	simm.s32 $0x1BFF;
	s21 =	sshll.u32 s6, $0x1;
	s3 =	sadd.s32 s4, s19  }
0x9c: {  	s7 =	simm.s32 $0x0;
	s20 =	sshll.u32 s5, $0x1;
	s5 =	sadd.s32 s21, s3  }
0x9d: {  	[timem:s7], [sflag:s22] =	dma.local [hbm:s5], s20  }
0x9e: {  	_ =	swait.ge [sflag:s22], s20  }
0x9f: {  	s4 =	ssub.s32 $0x0, s20;
	[sflag:s22] =	ssyncset.done $0x0  }
0xa0: {  	[sflag:s22] =	ssyncadd.s32 s4;
	_ =	sdelay $0x1  }
0xa1: {  	s23 =	simm.s32 $0x1B8B  }
0xa2: {  	_ =	swait.ge [sflag:s23], $0x1  }
0xa3: {  	[sflag:s23] =	ssyncset.done $0x0  }
0xa4: {  	s25 =	simm.s32 $0x1B8E;
	s24 =	sld [smem:$0x3FFE];
	[sflag:s23] =	ssyncadd.s32 $0xFFFFFFFF  }
0xa5: {  	s26 =	simm.s32 $execute0_lowered;
	[smem:$0x3FD2] =	sst s25  }
0xa6: {  	s5 =	sshll.u32 s26, $0x1;
	_ =	strace $0x80000049;
	[dreg:$0x1] =	wrdreg $0xFFFFFFFF  }
0xa7: {  	s28 =	simm.s32 $_size_execute0_lowered;
	s3 =	sadd.s32 s3, s5;
	[dreg:$0x0] =	wrdreg $0x0  }
0xa8: {  	s5 =	sshll.u32 s28, $0x1;
	[dreg:$0x2] =	wrdreg s3  }
0xa9: {  	[dreg:$0x3] =	wrdreg s5  }
0xaa: {  	[dreg:$0x4] =	wrdreg $0xC0  }
0xab: {  	_ =	task [dreg:s7], $0x5FFFF  }
0xac: {  	[dreg:$0x1] =	wrdreg $0xFFFFFFFF  }
0xad: {  	[dreg:$0x0] =	wrdreg $0x60  }
0xae: {  	[dreg:$0x2] =	wrdreg s2  }
0xaf: {  	[dreg:$0x3] =	wrdreg s24  }
0xb0: {  	[dreg:$0x4] =	wrdreg $0x0  }
0xb1: {  	[dreg:$0x5] =	wrdreg $0x9  }
0xb2: {  	_ =	task.clear_ibuf [dreg:s7], $0x6FFFF;
	_ =	strace $0x90000049  }
0xb3: {  	s29 =	simm.s32 $0x9;
	_ =	strace $0x8000004B  }
0xb4: {  	_ =	swait.ge [sflag:s29], $0x1  }
0xb5: {  	[sflag:s29] =	ssyncadd.s32 $0xFFFFFFFF  }
0xb6: {  	_ =	strace $0x9000004B  }
0xb7: {  	_ =	sfence  }
0xb8: {  	s30 =	sld [smem:$0x0];
	_ =	sdelay $0x2  }
0xb9: {  	s31 =	sshll.u32 s1, $0xD;
	s1 =	sshrl.u32 s1, $0x2  }
0xba: {  	s3 =	sand.u32 $0x4000, s31;
	s1 =	sadd.s32 s1, s30  }
0xbb: {  	s0 =	sor.u32 s3, s0;
	s1 =	sshll.u32 s1, $0x11  }
0xbc: {  	s0 =	sor.u32 s1, s0  }
0xbd: {  	s0 =	sadd.s32 $0x8F2B, s0  }
0xbe: {  	[sflag:s0] =	ssyncadd.remote.s32 $0x1  }
0xbf: {  	_ =	sfence.sel $0xFFFF  }
0xc0: {  	[dreg:$0x0] =	wrdreg $0xFFFFFFFF;
	(pc) =	sbr.abs _section_cstart, $3  }
0xc1: {  	[dreg:$0x1] =	wrdreg $0xFFFFFFFF  }
0xc2: {  	_ =	task.clear_ibuf [dreg:s7], $0x2FFFF;
	_ =	strace $0x9FFFFFFF  }
0xc3: {  	(tm) =	ssettm $0x7FFFFFFF  }
tec
execute0_lowered:
.L_overlay_start_1:
0x0: {  	(tag) =	ssettag $0x1  }
0x1: {  	s8 =	rddreg [dreg:$0x0]  }
0x2: {  	s5 =	rddreg [dreg:$0x1];
	s0 =	stileid.u32  }
0x3: {  	s1 =	srdreg.scid;
	s2 =	rddreg [dreg:$0x2];
	s3 =	simm.s32 $0x0  }
0x4: {  	s14 =	simm.s32 $0x13C00;
	s15 =	simm.s32 $0x100;
	s16 =	simm.s32 $0x1  }
0x5: {  	s17 =	simm.s32 $0x13D00;
	s20 =	simm.s32 $0x0;
	s7 =	smul.u32 $0x13C00, s0  }
0x6: {  	s6 =	sand.u32 $0x1, s1;
	s1 =	rddreg [dreg:$0x3];
	s9 =	smul.u32 $0xA00, s0  }
0x7: {  	[smem:$0x7FF] =	sst s3;
	s11 =	smul.u32 $0x4F000, s0;
	s18 =	sshll.u32 s0, $0x6  }
0x8: {  	s4 =	smul.u32 $0x13C000, s6;
	_ =	strace $0x8000004A;
	s29 =	ssub.s32 $0x2, s6  }
0x9: {  	s13 =	smul.u32 $0x27100, s6;
	s18 =	sor.u32 $0x1C02, s18;
	s12 =	sadd.s32 s9, s5  }
0xa: {  	s30 =	sshrl.u32 s11, $0x2;
	s31 =	sshrl.u32 s29, $0x1;
	s10 =	sadd.s32 s7, s4  }
0xb: {  	s4 =	sadd.s32 $0xC400, s5;
	s11 =	ssub.s32 s29, s31;
	s8 =	sadd.s32 s8, s13  }
0xc: {  	s13 =	simm.s32 $0x2;
	s28 =	sshrl.u32 s10, $0x3;
	s10 =	sadd.s32 s30, s2  }
0xd: {  	s9 =	sadd.s32 s28, s5;
	s5 =	sadd.s32 s7, s2;
	s6 =	sadd.s32 $0x8000, s10  }
0xe: {  	s7 =	sadd.s32 $0x10000, s10;
	s10 =	smax.u32 s11, $0x1;
	s11 =	sadd.s32 $0x2400, s12  }
0xf: {  	s12 =	simm.s32 $0x13E00;
	s9 =	sadd.s32 $0xD400, s9;
	s19 =	sshrl.u32 s5, $0x3  }
.LBB2_1:
0x10: {  	[tilespmem:s12], [sflag:$0x2] =	stream.linear.gather [hbm4b:s4+s3], $0x8000, $0x38;
	[tilespmem:$0x1BE00] =	vst v63  }
0x11: {  	_ =	swait.ge [sflag:s13], $0x8000  }
0x12: {  	[sflag:s13] =	ssyncset.done $0x0  }
0x13: {  	[sflag:s13] =	ssyncadd.s32 $0xFFFF8000  }
0x14: {  	[spmem:s5] =	stream.linear.scatter [tilespmem:s12], [sflag:$0x2], $0x8000, $0x38;
	[tilespmem:$0x1BE00] =	vst v63  }
0x15: {  	_ =	swait.ge [sflag:s13], $0x8000  }
0x16: {  	[sflag:s13] =	ssyncset.done $0x0  }
0x17: {  	[sflag:s13] =	ssyncadd.s32 $0xFFFF8000  }
0x18: {  	[spmem:s6] =	stream.linear.scatter [tilespmem:s12], [sflag:$0x2], $0x8000, $0x38;
	[tilespmem:$0x1BE00] =	vst v63  }
0x19: {  	_ =	swait.ge [sflag:s13], $0x8000  }
0x1a: {  	[sflag:s13] =	ssyncset.done $0x0  }
0x1b: {  	[sflag:s13] =	ssyncadd.s32 $0xFFFF8000  }
0x1c: {  	[spmem:s7] =	stream.linear.scatter [tilespmem:s12], [sflag:$0x2], $0x3C00, $0x38;
	[tilespmem:$0x1BE00] =	vst v63  }
0x1d: {  	_ =	swait.ge [sflag:s13], $0x3C00  }
0x1e: {  	[sflag:s13] =	ssyncset.done $0x0  }
0x1f: {  	[sflag:s13] =	ssyncadd.s32 $0xFFFFC400  }
0x20: {  	s21 =	sadd.s32 $0x0, s11;
	[bflag:$0x0] =	sbarrier.arrive $0xFFFF  }
0x21: {  	[tilespmem:s14], [sflag:$0x2] =	stream.linear.gather [hbm4b:s21+s3], $0x200, $0x38;
	[tilespmem:$0x1BE00] =	vst v63  }
0x22: {  	_ =	swait.ge [sflag:s13], $0x200  }
0x23: {  	[sflag:s13] =	ssyncset.done $0x0  }
0x24: {  	[sflag:s13] =	ssyncadd.s32 $0xFFFFFE00  }
0x25: {  	[tilespmem:s12], [sflag:$0x1] =	stream.indirect.gather [hbm4b:s8+s15], $0x80, s14, s15, $0xb8;
	[tilespmem:$0x1BE00] =	vst v63  }
0x26: {  	_ =	swait.ge [sflag:s16], $0x8000  }
0x27: {  	[sflag:s16] =	ssyncset.done $0x0  }
0x28: {  	[sflag:s16] =	ssyncadd.s32 $0xFFFF8000  }
0x29: {  	[spmem:s2] =	stream.indirect.scatter.add.f32 [tilespmem:s12], [sflag:$0x2], $0x80, s17, s15, $0xb8;
	[tilespmem:$0x1BE00] =	vst v63  }
0x2a: {  	_ =	swait.ge [sflag:s13], $0x8000  }
0x2b: {  	s22 =	simm.s32 $0x80;
	s21 =	simm.s32 $0x40;
	[sflag:s13] =	ssyncset.done $0x0  }
.LBB2_2:
0x2c: {  	s23 =	sadd.s32 s21, s11  }
0x2d: {  	[sflag:s13] =	ssyncadd.s32 $0xFFFF8000;
	s21 =	smov.u32 s22;
	s24 =	sadd.s32 $0x40, s22  }
0x2e: {  	[tilespmem:s14], [sflag:$0x2] =	stream.linear.gather [hbm4b:s23+s3], $0x200, $0x38;
	[tilespmem:$0x1BE00] =	vst v63  }
0x2f: {  	p0 =	sne.s32 s22, $0x9C0;
	_ =	swait.ge [sflag:s13], $0x200  }
0x30: {  	[sflag:s13] =	ssyncset.done $0x0  }
0x31: {  	[sflag:s13] =	ssyncadd.s32 $0xFFFFFE00  }
0x32: {  	[tilespmem:s12], [sflag:$0x1] =	stream.indirect.gather [hbm4b:s8+s15], $0x80, s14, s15, $0xb8;
	[tilespmem:$0x1BE00] =	vst v63  }
0x33: {  	_ =	swait.ge [sflag:s16], $0x8000  }
.Ltmp0:
0x34: {  	[sflag:s16] =	ssyncset.done $0x0;
	(pc) =	sbr.rel @p0 .LBB2_2-.Ltmp0, $4  }
0x35: {  	[sflag:s16] =	ssyncadd.s32 $0xFFFF8000  }
0x36: {  	[spmem:s2] =	stream.indirect.scatter.add.f32 [tilespmem:s12], [sflag:$0x2], $0x80, s17, s15, $0xb8;
	[tilespmem:$0x1BE00] =	vst v63  }
0x37: {  	_ =	swait.ge [sflag:s13], $0x8000  }
0x38: {  	s22 =	smov.u32 s24;
	[sflag:s13] =	ssyncset.done $0x0  }
0x39: {  	s21 =	sadd.s32 s21, s11;
	[sflag:s13] =	ssyncadd.s32 $0xFFFF8000  }
0x3a: {  	[tilespmem:s14], [sflag:$0x2] =	stream.linear.gather [hbm4b:s21+s3], $0x200, $0x38;
	[tilespmem:$0x1BE00] =	vst v63  }
0x3b: {  	_ =	swait.ge [sflag:s13], $0x200  }
0x3c: {  	[sflag:s13] =	ssyncset.done $0x0  }
0x3d: {  	[sflag:s13] =	ssyncadd.s32 $0xFFFFFE00  }
0x3e: {  	[tilespmem:s12], [sflag:$0x1] =	stream.indirect.gather [hbm4b:s8+s15], $0x80, s14, s15, $0xb8;
	[tilespmem:$0x1BE00] =	vst v63  }
0x3f: {  	_ =	swait.ge [sflag:s16], $0x8000  }
0x40: {  	[sflag:s16] =	ssyncset.done $0x0  }
0x41: {  	[sflag:s16] =	ssyncadd.s32 $0xFFFF8000  }
0x42: {  	[spmem:s2] =	stream.indirect.scatter.add.f32 [tilespmem:s12], [sflag:$0x2], $0x80, s17, s15, $0xb8;
	[tilespmem:$0x1BE00] =	vst v63  }
0x43: {  	_ =	swait.ge [sflag:s13], $0x8000  }
0x44: {  	s20 =	sadd.s32 $0x1, s20;
	[sflag:s13] =	ssyncset.done $0x0  }
0x45: {  	p0 =	sne.s32 s20, s10;
	[sflag:s13] =	ssyncadd.s32 $0xFFFF8000  }
.Ltmp1:
0x46: {  	[bflag:$0x0] =	sbarrier.arrive $0xFFFF;
	(pc) =	sbr.rel @p0 .LBB2_1-.Ltmp1, $4  }
0x47: {  	[hbm:s9], [sflag:s18] =	dma.local [spmem:s19], $0x2780  }
0x48: {  	_ =	swait.ge [sflag:s13], $0x2780  }
0x49: {  	[sflag:s13] =	ssyncset.done $0x0  }
0x4a: {  	[sflag:s13] =	ssyncadd.s32 $0xFFFFD880  }
0x4b: {  	_ =	sfence.sel $0x180000  }
0x4c: {  	[bflag:$0x0] =	sbarrier.arrive $0xFFFF  }
0x4d: {  	p0 =	sne.s32 s0, $0x0;
	_ =	strace $0x9000004A  }
0x4e: {  	s0 =	sadd.s32 @!p0 $0x100000, s1;
	[bflag:$0x2] =	sbarrier.arrive $0xFFFF  }
0x4f: {  	[sflag:s0] =	ssyncadd.tile.s32 @!p0 $0x1;
	_ =	shalt  }
.Lfunc_end2:
_tile_overlayer_lowered:
.L_overlay_start_2:
0x50: {  	(tag) =	ssettag $0x2  }
0x51: {  	s0 =	rddreg [dreg:$0x0];
	s2 =	stileid.u32  }
0x52: {  	s1 =	rddreg [dreg:$0x1];
	p0 =	sne.s32 s2, $0x0  }
0x53: {  	s3 =	rddreg [dreg:$0x2];
	[bflag:$0x3] =	sbarrier.arrive $0xFFFF;
	s2 =	simm.s32 @!p0 $0x1C02  }
0x54: {  	[timem:s3], [sflag:s2] =	dma.local @!p0 [hbm:s0], s1  }
0x55: {  	s0 =	simm.s32 @!p0 $0x2  }
0x56: {  	_ =	swait.ge @!p0 [sflag:s0], s1  }
0x57: {  	s1 =	ssub.s32 @!p0 $0x0, s1;
	[sflag:s0] =	ssyncset.done @!p0 $0x0  }
0x58: {  	[sflag:s0] =	ssyncadd.s32 @!p0 s1  }
0x59: {  	[bflag:$0x3] =	sbarrier.arrive $0xFFFF  }
0x5a: {  	_ =	shalt  }

// kernel: kernel.8.cloned.1.call-start
scs
__scs_entry_jumppad:
0x0: {  	(pc) =	sbr.rel $0x88, $3  }
0x1: {  	(tag) =	ssettag $0x0;
	lr =	simm.s32 $0x1  }
0x2: {  	[smem:$0x3F99] =	sst lr;
	_ =	strace $0xD0000000  }
0x3: {  	_ = 	snop  }
0x4: {  	_ = 	snop  }
0x5: {  	_ = 	snop  }
0x6: {  	_ = 	snop  }
0x7: {  	_ = 	snop  }
__scs_overlays_trampoline_lowered:
0x8: {  	[smem:$0x3FA8] =	sst s0  }
0x9: {  	[smem:$0x3FA9] =	sst s1  }
0xa: {  	[smem:$0x3FAA] =	sst s2  }
0xb: {  	[smem:$0x3FAB] =	sst s3  }
0xc: {  	[smem:$0x3FAC] =	sst s4  }
0xd: {  	[smem:$0x3FAD] =	sst s5  }
0xe: {  	[smem:$0x3FAE] =	sst s6  }
0xf: {  	[smem:$0x3FAF] =	sst s7  }
0x10: {  	[smem:$0x3FB0] =	sst s8  }
0x11: {  	[smem:$0x3FB1] =	sst s9;
	s0 =	simm.s32 @!p0 $0x0  }
0x12: {  	s1 =	sld [smem:$0x3F97];
	s0 =	simm.s32 @p0 $0x1  }
0x13: {  	[smem:$0x3FB2] =	sst s0;
	s0 =	simm.s32 @!p1 $0x0  }
0x14: {  	s2 =	sld [smem:$0x3F96];
	s0 =	simm.s32 @p1 $0x1  }
0x15: {  	[smem:$0x3FB3] =	sst s0;
	s0 =	simm.s32 @!p2 $0x0  }
0x16: {  	s3 =	sld [smem:$0x3FDB];
	s0 =	simm.s32 @p2 $0x1  }
0x17: {  	s4 =	simm.s32 $0x1BF5;
	[smem:$0x3FB5] =	sst s0  }
0x18: {  	s0 =	sld [smem:$0x3F98];
	_ =	swait.ge [sflag:s4], $0x0  }
0x19: {  	s7 =	sld [smem:$0x3F99]  }
0x1a: {  	s8 =	sadd.s32 $0xFFFFE003, lr  }
0x1b: {  	s9 =	sadd.s32 $0xFFFFFEF7, lr;
	s5 =	simm.s32 $0xFFFFFFFF;
	p2 =	slt.u32 s8, $0xFFFFF086  }
0x1c: {  	p1 =	slt.u32 s9, $0xF7A;
	s5 =	simm.s32 @!p2 $0x0  }
0x1d: {  	s5 =	simm.s32 @p1 $0x1;
	p0 =	seq.s32 s7, s2  }
0x1e: {  	s7 =	smul.u32 @!p0 $0xF7A, s2;
	p2 =	seq.s32 @!p0 s5, $0x0  }
0x1f: {  	s9 =	smul.u32 $0xF7A, s1;
	s8 =	simm.s32 @!p0 $0x1BF5;
	p2 =	por !p2, p0  }
0x20: {  	[sflag:s8] =	ssyncset.s32 @!p0 $0xFFFFF086;
	s6 =	sadd.s32 @!p0 s3, s7;
	s7 =	simm.s32 @!p0 $0x108  }
0x21: {  	s3 =	sadd.s32 s3, s9;
	s6 =	sadd.s32 @!p0 $0x88, s6;
	s7 =	simm.s32 @p2 $0x1082  }
0x22: {  	[simem:s7], [sflag:s8] =	dma.local @!p0 [hbm:s6], $0xF7A  }
0x23: {  	s9 =	sor.u32 $0xD0000000, s2;
	s6 =	simm.s32 $0x108;
	_ =	swait.ge @!p0 [sflag:s8], $0x0  }
0x24: {  	s3 =	sadd.s32 $0x88, s3;
	s6 =	simm.s32 @!p1 $0x1082;
	[sflag:s4] =	ssyncset.s32 $0xFFFFF086  }
0x25: {  	[simem:s6], [sflag:s4] =	dma.local [hbm:s3], $0xF7A  }
0x26: {  	[smem:$0x3F99] =	sst s1;
	(tag) =	ssettag s2;
	_ =	strace s9  }
0x27: {  	s1 =	sld [smem:$0x3FA9]  }
0x28: {  	s2 =	sld [smem:$0x3FAA]  }
0x29: {  	s4 =	sld [smem:$0x3FAC]  }
0x2a: {  	p0 =	seq.s32 s5, $0x0;
	s5 =	sld [smem:$0x3FAD]  }
0x2b: {  	s6 =	sld [smem:$0x3FAE]  }
0x2c: {  	s7 =	sld [smem:$0x3FAF]  }
0x2d: {  	s3 =	simm.s32 $0x108;
	s8 =	sld [smem:$0x3FB0]  }
0x2e: {  	s3 =	simm.s32 @!p0 $0x1082;
	s9 =	sld [smem:$0x3FB1]  }
0x2f: {  	lr =	sadd.s32 s0, s3;
	s0 =	sld [smem:$0x3FA8]  }
0x30: {  	s3 =	sld [smem:$0x3FAB]  }
0x31: {  	[smem:$0x3FB4] =	sst s10  }
0x32: {  	s10 =	sld [smem:$0x3FB2];
	_ =	sdelay $0x3  }
0x33: {  	p0 =	seq.s32 s10, $0x1;
	s10 =	sld [smem:$0x3FB4];
	_ =	sdelay $0x3  }
0x34: {  	[smem:$0x3FB4] =	sst s10  }
0x35: {  	s10 =	sld [smem:$0x3FB3];
	_ =	sdelay $0x3  }
0x36: {  	p1 =	seq.s32 s10, $0x1;
	s10 =	sld [smem:$0x3FB4];
	_ =	sdelay $0x3  }
0x37: {  	[smem:$0x3FB4] =	sst s10  }
0x38: {  	s10 =	sld [smem:$0x3FB5]  }
0x39: {  	_ = 	snop;
	(pc) =	sbr.ind lr, $3  }
0x3a: {  	_ = 	snop  }
0x3b: {  	_ = 	snop  }
0x3c: {  	p2 =	seq.s32 s10, $0x1;
	s10 =	sld [smem:$0x3FB4]  }
0x3d: {  	_ =	shalt  }
0x3e: {  	_ =	shalt  }
0x3f: {  	_ =	shalt  }
0x40: {  	_ =	shalt  }
0x41: {  	_ =	shalt  }
0x42: {  	_ =	shalt  }
0x43: {  	_ =	shalt  }
0x44: {  	_ =	shalt  }
0x45: {  	_ =	shalt  }
0x46: {  	_ =	shalt  }
0x47: {  	_ =	shalt  }
0x48: {  	_ =	shalt  }
0x49: {  	_ =	shalt  }
0x4a: {  	_ =	shalt  }
0x4b: {  	_ =	shalt  }
0x4c: {  	_ =	shalt  }
0x4d: {  	_ =	shalt  }
0x4e: {  	_ =	shalt  }
0x4f: {  	_ =	shalt  }
0x50: {  	_ =	shalt  }
0x51: {  	_ =	shalt  }
0x52: {  	_ =	shalt  }
0x53: {  	_ =	shalt  }
0x54: {  	_ =	shalt  }
0x55: {  	_ =	shalt  }
0x56: {  	_ =	shalt  }
0x57: {  	_ =	shalt  }
0x58: {  	_ =	shalt  }
0x59: {  	_ =	shalt  }
0x5a: {  	_ =	shalt  }
0x5b: {  	_ =	shalt  }
0x5c: {  	_ =	shalt  }
0x5d: {  	_ =	shalt  }
0x5e: {  	_ =	shalt  }
0x5f: {  	_ =	shalt  }
0x60: {  	_ =	shalt  }
0x61: {  	_ =	shalt  }
0x62: {  	_ =	shalt  }
0x63: {  	_ =	shalt  }
0x64: {  	_ =	shalt  }
0x65: {  	_ =	shalt  }
0x66: {  	_ =	shalt  }
0x67: {  	_ =	shalt  }
0x68: {  	_ =	shalt  }
0x69: {  	_ =	shalt  }
0x6a: {  	_ =	shalt  }
0x6b: {  	_ =	shalt  }
0x6c: {  	_ =	shalt  }
0x6d: {  	_ =	shalt  }
0x6e: {  	_ =	shalt  }
0x6f: {  	_ =	shalt  }
0x70: {  	_ =	shalt  }
0x71: {  	_ =	shalt  }
0x72: {  	_ =	shalt  }
0x73: {  	_ =	shalt  }
0x74: {  	_ =	shalt  }
0x75: {  	_ =	shalt  }
0x76: {  	_ =	shalt  }
0x77: {  	_ =	shalt  }
0x78: {  	_ =	shalt  }
0x79: {  	_ =	shalt  }
0x7a: {  	_ =	shalt  }
0x7b: {  	_ =	shalt  }
0x7c: {  	_ =	shalt  }
0x7d: {  	_ =	shalt  }
0x7e: {  	_ =	shalt  }
0x7f: {  	_ =	shalt  }
0x80: {  	_ =	shalt  }
0x81: {  	_ =	shalt  }
0x82: {  	_ =	shalt  }
0x83: {  	_ =	shalt  }
0x84: {  	_ =	shalt  }
0x85: {  	_ =	shalt  }
0x86: {  	_ =	shalt  }
0x87: {  	_ =	shalt  }
.Lfunc_end0:
.L_simem_size_0:
called_computation_lowered:
.L_overlay_start_0:
0x88: {  	s2 =	sld [smem:$0x3FD9]  }
0x89: {  	s3 =	sld [smem:$0x3FFE];
	_ =	sdelay $0x1  }
0x8a: {  	s1 =	srdreg.scid  }
0x8b: {  	s0 =	sand.u32 $0x1, s1  }
0x8c: {  	s17 =	sshll.u32 s0, $0xA;
	s2 =	sadd.s32 s3, s2  }
0x8d: {  	s2 =	sadd.s32 s2, s17  }
0x8e: {  	[smem:$0x3FC0] =	sst s2  }
0x8f: {  	_ = 	snop  }
0x90: {  	s2 =	sld [smem:$0x3FD0];
	(tm) =	ssettm $0x1  }
0x91: {  	s18 =	sld [smem:$0x3FFB];
	_ =	sdelay $0x3  }
0x92: {  	_ =	strace s18  }
0x93: {  	s3 =	sld [smem:$0x3FFC];
	_ =	sdelay $0x3  }
0x94: {  	_ =	strace s3  }
0x95: {  	s3 =	sld [smem:$0x3FFD];
	_ =	sdelay $0x3  }
0x96: {  	_ =	strace s3  }
0x97: {  	_ =	strace $0x8FFFFFFF  }
0x98: {  	s19 =	sld [smem:$0x3FDB];
	_ =	sdelay $0x1  }
0x99: {  	s4 =	simm.s32 $_scs_section_size  }
0x9a: {  	s5 =	simm.s32 $_size__tile_overlayer_lowered;
	s6 =	simm.s32 $_tile_overlayer_lowered  }
0x9b: {  	s22 =	simm.s32 $0x1BFF;
	s21 =	sshll.u32 s6, $0x1;
	s3 =	sadd.s32 s4, s19  }
0x9c: {  	s7 =	simm.s32 $0x0;
	s20 =	sshll.u32 s5, $0x1;
	s5 =	sadd.s32 s21, s3  }
0x9d: {  	[timem:s7], [sflag:s22] =	dma.local [hbm:s5], s20  }
0x9e: {  	_ =	swait.ge [sflag:s22], s20  }
0x9f: {  	s4 =	ssub.s32 $0x0, s20;
	[sflag:s22] =	ssyncset.done $0x0  }
0xa0: {  	[sflag:s22] =	ssyncadd.s32 s4;
	_ =	sdelay $0x1  }
0xa1: {  	s23 =	simm.s32 $0x1B8B  }
0xa2: {  	_ =	swait.ge [sflag:s23], $0x1  }
0xa3: {  	[sflag:s23] =	ssyncset.done $0x0  }
0xa4: {  	s25 =	simm.s32 $0x1B8E;
	s24 =	sld [smem:$0x3FFE];
	[sflag:s23] =	ssyncadd.s32 $0xFFFFFFFF  }
0xa5: {  	s26 =	simm.s32 $execute0_lowered;
	[smem:$0x3FD2] =	sst s25  }
0xa6: {  	s5 =	sshll.u32 s26, $0x1;
	_ =	strace $0x80000046;
	[dreg:$0x1] =	wrdreg $0xFFFFFFFF  }
0xa7: {  	s28 =	simm.s32 $_size_execute0_lowered;
	s3 =	sadd.s32 s3, s5;
	[dreg:$0x0] =	wrdreg $0x0  }
0xa8: {  	s5 =	sshll.u32 s28, $0x1;
	[dreg:$0x2] =	wrdreg s3  }
0xa9: {  	[dreg:$0x3] =	wrdreg s5  }
0xaa: {  	[dreg:$0x4] =	wrdreg $0xC0  }
0xab: {  	_ =	task [dreg:s7], $0x5FFFF  }
0xac: {  	[dreg:$0x1] =	wrdreg $0xFFFFFFFF  }
0xad: {  	[dreg:$0x0] =	wrdreg $0x60  }
0xae: {  	[dreg:$0x2] =	wrdreg s2  }
0xaf: {  	[dreg:$0x3] =	wrdreg s24  }
0xb0: {  	[dreg:$0x4] =	wrdreg $0x0  }
0xb1: {  	[dreg:$0x5] =	wrdreg $0x13C000  }
0xb2: {  	[dreg:$0x6] =	wrdreg $0x9  }
0xb3: {  	_ =	task.clear_ibuf [dreg:s7], $0x7FFFF;
	_ =	strace $0x90000046  }
0xb4: {  	s29 =	simm.s32 $0x9;
	_ =	strace $0x80000048  }
0xb5: {  	_ =	swait.ge [sflag:s29], $0x1  }
0xb6: {  	[sflag:s29] =	ssyncadd.s32 $0xFFFFFFFF  }
0xb7: {  	_ =	strace $0x90000048  }
0xb8: {  	_ =	sfence  }
0xb9: {  	s30 =	sld [smem:$0x0];
	_ =	sdelay $0x2  }
0xba: {  	s31 =	sshll.u32 s1, $0xD;
	s1 =	sshrl.u32 s1, $0x2  }
0xbb: {  	s3 =	sand.u32 $0x4000, s31;
	s1 =	sadd.s32 s1, s30  }
0xbc: {  	s0 =	sor.u32 s3, s0;
	s1 =	sshll.u32 s1, $0x11  }
0xbd: {  	s0 =	sor.u32 s1, s0  }
0xbe: {  	s0 =	sadd.s32 $0x8F2B, s0  }
0xbf: {  	[sflag:s0] =	ssyncadd.remote.s32 $0x1  }
0xc0: {  	_ =	sfence.sel $0xFFFF  }
0xc1: {  	[dreg:$0x0] =	wrdreg $0xFFFFFFFF;
	(pc) =	sbr.abs _section_cstart, $3  }
0xc2: {  	[dreg:$0x1] =	wrdreg $0xFFFFFFFF  }
0xc3: {  	_ =	task.clear_ibuf [dreg:s7], $0x2FFFF;
	_ =	strace $0x9FFFFFFF  }
0xc4: {  	(tm) =	ssettm $0x7FFFFFFF  }
0xc5: {  	_ =	shalt  }
tec
execute0_lowered:
.L_overlay_start_1:
0x0: {  	(tag) =	ssettag $0x1  }
0x1: {  	s1 =	rddreg [dreg:$0x0]  }
0x2: {  	s0 =	rddreg [dreg:$0x1]  }
0x3: {  	s2 =	rddreg [dreg:$0x2];
	s6 =	stileid.u32  }
0x4: {  	s5 =	srdreg.scid;
	s4 =	rddreg [dreg:$0x3];
	s19 =	simm.s32 $0x16580  }
0x5: {  	s20 =	simm.s32 $0x2;
	s21 =	simm.s32 $0x1E580;
	s3 =	smul.u32 $0xA00, s6  }
0x6: {  	s22 =	simm.s32 $0x16380;
	s28 =	simm.s32 $0x0;
	s9 =	smul.u32 $0x13C00, s6  }
0x7: {  	s25 =	sand.u32 $0x1, s5;
	s5 =	simm.s32 $0x0;
	s12 =	smul.u32 $0x2780, s6  }
0x8: {  	s7 =	sadd.s32 $0xC400, s0;
	s23 =	sadd.s32 $0xD600, s0;
	s14 =	smul.u32 $0x278, s6  }
0x9: {  	s24 =	sadd.s32 $0xD400, s0;
	s8 =	smul.u32 $0x13C000, s25;
	[smem:$0x7FF] =	sst s5  }
0xa: {  	s10 =	smul.u32 $0x27800, s25;
	_ =	strace $0x80000047;
	[dreg:$0x5] =	wrdreg s7  }
0xb: {  	s13 =	ssub.s32 $0x2, s25;
	p0 =	seq.s32 s25, $0x1;
	[dreg:$0x6] =	wrdreg s23  }
0xc: {  	v0 =	vmov s25;
	s25 =	simm.s32 $0x1;
	s3 =	sadd.s32 s3, s0;
	[dreg:$0x7] =	wrdreg s24  }
0xd: {  	s26 =	sshrl.u32 s13, $0x1;
	s29 =	sadd.s32 $0x100, s14;
	s14 =	sadd.s32 $0x200, s14  }
0xe: {  	s23 =	simm.s32 $0x3;
	s24 =	simm.s32 $0x100;
	s11 =	sadd.s32 s9, s8  }
0xf: {  	s10 =	sadd.s32 s12, s10;
	s17 =	ssub.s32 s13, s26;
	s9 =	sadd.s32 s9, s2  }
0x10: {  	s30 =	sshll.u32 s29, $0x7;
	s31 =	sshll.u32 s14, $0x7;
	s13 =	sshll.u32 s29, $0x4  }
0x11: {  	s12 =	sadd.s32 s12, s4;
	s14 =	sshll.u32 s14, $0x4;
	s18 =	sadd.s32 $0x2400, s3  }
0x12: {  	s26 =	simm.s32 $0x16480;
	s11 =	sshrl.u32 s11, $0x3;
	s10 =	sshrl.u32 s10, $0x3  }
0x13: {  	s13 =	sadd.s32 s13, s4;
	s14 =	sadd.s32 s14, s4;
	s17 =	smax.u32 s17, $0x1  }
0x14: {  	s15 =	sadd.s32 s11, s0;
	s0 =	sadd.s32 s10, s0;
	s10 =	sadd.s32 s30, s2  }
0x15: {  	s11 =	sadd.s32 s31, s2;
	s15 =	sadd.s32 $0x17600, s15;
	s16 =	sadd.s32 $0xD800, s0  }
.LBB2_1:
0x16: {  	s0 =	rddreg [dreg:$0x5]  }
0x17: {  	[tilespmem:s19], [sflag:$0x2] =	stream.linear.gather [hbm4b:s0+s5], $0x8000, $0x38;
	[tilespmem:$0x1F580] =	vst v63  }
0x18: {  	_ =	swait.ge [sflag:s20], $0x8000  }
0x19: {  	[sflag:s20] =	ssyncset.done $0x0  }
0x1a: {  	[sflag:s20] =	ssyncadd.s32 $0xFFFF8000  }
0x1b: {  	[spmem:s9] =	stream.linear.scatter [tilespmem:s19], [sflag:$0x2], $0x8000, $0x38;
	[tilespmem:$0x1F580] =	vst v63  }
0x1c: {  	_ =	swait.ge [sflag:s20], $0x8000  }
0x1d: {  	[sflag:s20] =	ssyncset.done $0x0  }
0x1e: {  	[sflag:s20] =	ssyncadd.s32 $0xFFFF8000  }
0x1f: {  	[spmem:s10] =	stream.linear.scatter [tilespmem:s19], [sflag:$0x2], $0x8000, $0x38;
	[tilespmem:$0x1F580] =	vst v63  }
0x20: {  	_ =	swait.ge [sflag:s20], $0x8000  }
0x21: {  	[sflag:s20] =	ssyncset.done $0x0  }
0x22: {  	[sflag:s20] =	ssyncadd.s32 $0xFFFF8000  }
0x23: {  	[spmem:s11] =	stream.linear.scatter [tilespmem:s19], [sflag:$0x2], $0x3C00, $0x38;
	[tilespmem:$0x1F580] =	vst v63  }
0x24: {  	_ =	swait.ge [sflag:s20], $0x3C00  }
0x25: {  	[sflag:s20] =	ssyncset.done $0x0  }
0x26: {  	s7 =	rddreg [dreg:$0x6];
	[sflag:s20] =	ssyncadd.s32 $0xFFFFC400  }
0x27: {  	[tilespmem:s21], [sflag:$0x2] =	stream.linear.gather [hbm4b:s7+s5], $0x1000, $0x38;
	[tilespmem:$0x1F580] =	vst v63  }
0x28: {  	_ =	swait.ge [sflag:s20], $0x1000  }
0x29: {  	[sflag:s20] =	ssyncset.done $0x0  }
0x2a: {  	[sflag:s20] =	ssyncadd.s32 $0xFFFFF000  }
0x2b: {  	[spmem:s12] =	stream.linear.scatter [tilespmem:s21], [sflag:$0x2], $0x1000, $0x38;
	[tilespmem:$0x1F580] =	vst v63  }
0x2c: {  	_ =	swait.ge [sflag:s20], $0x1000  }
0x2d: {  	[sflag:s20] =	ssyncset.done $0x0  }
0x2e: {  	[sflag:s20] =	ssyncadd.s32 $0xFFFFF000  }
0x2f: {  	[spmem:s13] =	stream.linear.scatter [tilespmem:s21], [sflag:$0x2], $0x1000, $0x38;
	[tilespmem:$0x1F580] =	vst v63  }
0x30: {  	_ =	swait.ge [sflag:s20], $0x1000  }
0x31: {  	[sflag:s20] =	ssyncset.done $0x0  }
0x32: {  	[sflag:s20] =	ssyncadd.s32 $0xFFFFF000  }
0x33: {  	[spmem:s14] =	stream.linear.scatter [tilespmem:s21], [sflag:$0x2], $0x780, $0x38;
	[tilespmem:$0x1F580] =	vst v63  }
0x34: {  	_ =	swait.ge [sflag:s20], $0x780  }
0x35: {  	[sflag:s20] =	ssyncset.done $0x0  }
0x36: {  	s8 =	rddreg [dreg:$0x7];
	[sflag:s20] =	ssyncadd.s32 $0xFFFFF880  }
0x37: {  	[tilespmem:s21], [sflag:$0x2] =	stream.linear.gather [hbm4b:s8+s5], $0x1000, $0x38;
	[tilespmem:$0x1F580] =	vst v63  }
0x38: {  	_ =	swait.ge [sflag:s20], $0x1000  }
0x39: {  	[sflag:s20] =	ssyncset.done $0x0  }
0x3a: {  	[sflag:s20] =	ssyncadd.s32 $0xFFFFF000  }
0x3b: {  	[bflag:$0x0] =	sbarrier.arrive $0xFFFF  }
0x3c: {  	[tilespmem:s22], [sflag:$0x3] =	stream.linear.gather [hbm4b:s18+s5], $0x200, $0x38;
	[tilespmem:$0x1F580] =	vst v63  }
0x3d: {  	_ =	swait.ge [sflag:s23], $0x200  }
0x3e: {  	[sflag:s23] =	ssyncset.done $0x0  }
0x3f: {  	[sflag:s23] =	ssyncadd.s32 $0xFFFFFE00  }
0x40: {  	v1 =	vld [tilespmem:$0x16390]  }
0x41: {  	v2 =	vld [tilespmem:$0x16470]  }
0x42: {  	v3 =	vld [tilespmem:$0x16430]  }
0x43: {  	v5 =	vld [tilespmem:$0x16420]  }
0x44: {  	v7 =	vld [tilespmem:$0x16410]  }
0x45: {  	v4 =	vld [tilespmem:$0x16450];
	v1 =	vshll.u32 v1, $0x1  }
0x46: {  	v6 =	vld [tilespmem:$0x16440];
	v2 =	vshll.u32 v2, $0x1;
	v1 =	vor.u32 v0, v1  }
0x47: {  	v8 =	vld [tilespmem:$0x163F0];
	v3 =	vshll.u32 v3, $0x1;
	v2 =	vor.u32 v0, v2;
	[tilespmem:$0x16390] =	vst v1  }
0x48: {  	v5 =	vshll.u32 v5, $0x1;
	v3 =	vor.u32 v0, v3;
	v1 =	vld [tilespmem:$0x16400];
	[tilespmem:$0x16470] =	vst v2  }
0x49: {  	v59 =	vld [tilespmem:$0x163D0];
	v7 =	vshll.u32 v7, $0x1;
	v5 =	vor.u32 v0, v5;
	[tilespmem:$0x16430] =	vst v3  }
0x4a: {  	v4 =	vshll.u32 v4, $0x1;
	v7 =	vor.u32 v0, v7;
	v2 =	vld [tilespmem:$0x163E0];
	[tilespmem:$0x16420] =	vst v5  }
0x4b: {  	v60 =	vld [tilespmem:$0x163C0];
	v58 =	vshll.u32 v6, $0x1;
	v3 =	vor.u32 v0, v4;
	[tilespmem:$0x16410] =	vst v7  }
0x4c: {  	v61 =	vld [tilespmem:$0x163B0];
	v8 =	vshll.u32 v8, $0x1;
	[tilespmem:$0x16450] =	vst v3;
	v3 =	vor.u32 v0, v58  }
0x4d: {  	v8 =	vor.u32 v0, v8;
	[tilespmem:$0x16440] =	vst v3;
	v3 =	vld [tilespmem:$0x163A0];
	v1 =	vshll.u32 v1, $0x1  }
0x4e: {  	v62 =	vld [tilespmem:$0x16460];
	v6 =	vshll.u32 v59, $0x1;
	[tilespmem:$0x163F0] =	vst v8;
	v1 =	vor.u32 v0, v1  }
0x4f: {  	v6 =	vor.u32 v0, v6;
	v2 =	vshll.u32 v2, $0x1;
	[tilespmem:$0x16400] =	vst v1;
	v1 =	vld [tilespmem:$0x16380]  }
0x50: {  	v4 =	vshll.u32 v60, $0x1;
	[tilespmem:$0x163D0] =	vst v6;
	v2 =	vor.u32 v0, v2  }
0x51: {  	v4 =	vor.u32 v0, v4;
	[tilespmem:$0x163E0] =	vst v2;
	v2 =	vshll.u32 v61, $0x1  }
0x52: {  	[tilespmem:$0x163C0] =	vst v4;
	v3 =	vshll.u32 v3, $0x1;
	v2 =	vor.u32 v0, v2  }
0x53: {  	v63 =	vshll.u32 v62, $0x1;
	v3 =	vor.u32 v0, v3;
	[tilespmem:$0x163B0] =	vst v2  }
0x54: {  	v2 =	vor.u32 v0, v63;
	[tilespmem:$0x163A0] =	vst v3;
	v1 =	vshll.u32 v1, $0x1  }
0x55: {  	[tilespmem:$0x16460] =	vst v2;
	v1 =	vor.u32 v0, v1  }
0x56: {  	s30 =	simm.s32 $0x1;
	[tilespmem:$0x16380] =	vst v1  }
0x57: {  	[tilespmem:s19], [sflag:$0x1] =	stream.indirect.gather [hbm4b:s1+s24], $0x80, s22, s24, $0xb8;
	[tilespmem:$0x1F580] =	vst v63  }
0x58: {  	p1 =	por $0x1, $0x1;
	s29 =	simm.s32 $0x1;
	_ =	swait.ge [sflag:s25], $0x8000  }
0x59: {  	s3 =	simm.s32 $0x2;
	s0 =	simm.s32 $0x1;
	[sflag:s25] =	ssyncset.done $0x0  }
0x5a: {  	s29 =	simm.s32 @!p0 $0x0;
	s0 =	simm.s32 @!p1 $0x0;
	[sflag:s25] =	ssyncadd.s32 $0xFFFF8000  }
0x5b: {  	[spmem:s2] =	stream.indirect.scatter.add.f32 [tilespmem:s19], [sflag:$0x3], $0x80, s26, s24, $0xb8;
	[tilespmem:$0x1F580] =	vst v63  }
0x5c: {  	s31 =	sadd.s32 $0x40, s18;
	p2 =	seq.s32 s0, s29;
	_ =	swait.ge [sflag:s23], $0x8000  }
.LBB2_2:
0x5d: {  	[sflag:s23] =	ssyncset.done $0x0;
	s0 =	simm.s32 @!p2 $0x100;
	s6 =	simm.s32 @!p2 $0x16480  }
0x5e: {  	s7 =	simm.s32 @!p2 $0x1E580;
	s8 =	simm.s32 @!p2 $0x2;
	[sflag:s23] =	ssyncadd.s32 $0xFFFF8000  }
0x5f: {  	[spmem:s4] =	stream.indirect.scatter.add.f32 @!p2 [tilespmem:s7], [sflag:$0x2], $0x10, s6, s0, $0xb8;
	[tilespmem:$0x1F580] =	vst v63  }
0x60: {  	s0 =	smov.u32 s3;
	s3 =	sadd.s32 $0x1, s3;
	_ =	swait.ge @!p2 [sflag:s8], $0x1000  }
0x61: {  	p1 =	sne.s32 s3, $0x28;
	[sflag:s8] =	ssyncset.done @!p2 $0x0  }
0x62: {  	[sflag:s8] =	ssyncadd.s32 @!p2 $0xFFFFF000  }
0x63: {  	[tilespmem:s22], [sflag:$0x3] =	stream.linear.gather [hbm4b:s31+s5], $0x200, $0x38;
	[tilespmem:$0x1F580] =	vst v63  }
0x64: {  	_ =	swait.ge [sflag:s23], $0x200  }
0x65: {  	[sflag:s23] =	ssyncset.done $0x0  }
0x66: {  	[sflag:s23] =	ssyncadd.s32 $0xFFFFFE00  }
0x67: {  	v1 =	vld [tilespmem:$0x16440]  }
0x68: {  	v2 =	vld [tilespmem:$0x16390]  }
0x69: {  	v3 =	vld [tilespmem:$0x16470]  }
0x6a: {  	v4 =	vld [tilespmem:$0x16430]  }
0x6b: {  	v5 =	vld [tilespmem:$0x16450]  }
0x6c: {  	v6 =	vld [tilespmem:$0x16420]  }
0x6d: {  	v2 =	vshll.u32 v2, $0x1;
	v7 =	vld [tilespmem:$0x16460]  }
0x6e: {  	v1 =	vshll.u32 v1, $0x1;
	v2 =	vor.u32 v0, v2;
	v8 =	vld [tilespmem:$0x16410];
	v3 =	vshll.u32 v3, $0x1  }
0x6f: {  	v1 =	vor.u32 v0, v1;
	[tilespmem:$0x16390] =	vst v2;
	v2 =	vld [tilespmem:$0x16400];
	v4 =	vshll.u32 v4, $0x1;
	v3 =	vor.u32 v0, v3  }
0x70: {  	v9 =	vld [tilespmem:$0x163F0];
	v4 =	vor.u32 v0, v4;
	v5 =	vshll.u32 v5, $0x1;
	[tilespmem:$0x16470] =	vst v3  }
0x71: {  	v3 =	vld [tilespmem:$0x163E0];
	v6 =	vshll.u32 v6, $0x1;
	[tilespmem:$0x16430] =	vst v4;
	v4 =	vor.u32 v0, v5  }
0x72: {  	v5 =	vld [tilespmem:$0x163D0];
	v6 =	vor.u32 v0, v6;
	[tilespmem:$0x16450] =	vst v4;
	v4 =	vshll.u32 v7, $0x1  }
0x73: {  	v7 =	vld [tilespmem:$0x163C0];
	v8 =	vshll.u32 v8, $0x1;
	[tilespmem:$0x16420] =	vst v6;
	v4 =	vor.u32 v0, v4  }
0x74: {  	v6 =	vld [tilespmem:$0x163B0];
	v2 =	vshll.u32 v2, $0x1;
	v8 =	vor.u32 v0, v8;
	[tilespmem:$0x16440] =	vst v1  }
0x75: {  	v1 =	vld [tilespmem:$0x163A0];
	v9 =	vshll.u32 v9, $0x1;
	v2 =	vor.u32 v0, v2;
	[tilespmem:$0x16410] =	vst v8  }
0x76: {  	v8 =	vld [tilespmem:$0x16380];
	v3 =	vshll.u32 v3, $0x1;
	v9 =	vor.u32 v0, v9;
	[tilespmem:$0x16400] =	vst v2  }
0x77: {  	v2 =	vshll.u32 v5, $0x1;
	v3 =	vor.u32 v0, v3;
	[tilespmem:$0x163F0] =	vst v9  }
0x78: {  	v5 =	vshll.u32 v7, $0x1;
	v2 =	vor.u32 v0, v2;
	[tilespmem:$0x163E0] =	vst v3  }
0x79: {  	v3 =	vshll.u32 v6, $0x1;
	v5 =	vor.u32 v0, v5;
	[tilespmem:$0x163D0] =	vst v2  }
0x7a: {  	v1 =	vshll.u32 v1, $0x1;
	v2 =	vor.u32 v0, v3;
	[tilespmem:$0x163C0] =	vst v5  }
0x7b: {  	v3 =	vshll.u32 v8, $0x1;
	v1 =	vor.u32 v0, v1;
	[tilespmem:$0x163B0] =	vst v2  }
0x7c: {  	v2 =	vor.u32 v0, v3;
	[tilespmem:$0x163A0] =	vst v1  }
0x7d: {  	[tilespmem:$0x16460] =	vst v4  }
0x7e: {  	[tilespmem:$0x16380] =	vst v2  }
0x7f: {  	[tilespmem:s19], [sflag:$0x1] =	stream.indirect.gather [hbm4b:s1+s24], $0x80, s22, s24, $0xb8;
	[tilespmem:$0x1F580] =	vst v63  }
.Ltmp0:
0x80: {  	p2 =	slt.u32 s30, $0x14;
	_ =	swait.ge [sflag:s25], $0x8000;
	(pc) =	sbr.rel @p1 .LBB2_2-.Ltmp0, $4  }
0x81: {  	s30 =	smov.u32 s0;
	s0 =	simm.s32 $0x1;
	[sflag:s25] =	ssyncset.done $0x0  }
0x82: {  	s0 =	simm.s32 @!p2 $0x0;
	[sflag:s25] =	ssyncadd.s32 $0xFFFF8000  }
0x83: {  	[spmem:s2] =	stream.indirect.scatter.add.f32 [tilespmem:s19], [sflag:$0x3], $0x80, s26, s24, $0xb8;
	[tilespmem:$0x1F580] =	vst v63  }
0x84: {  	s31 =	sadd.s32 $0x40, s31;
	p2 =	seq.s32 s0, s29;
	_ =	swait.ge [sflag:s23], $0x8000  }
0x85: {  	[sflag:s23] =	ssyncset.done $0x0;
	s0 =	simm.s32 @!p2 $0x100;
	s3 =	simm.s32 @!p2 $0x16480  }
0x86: {  	s6 =	simm.s32 @!p2 $0x1E580;
	s7 =	simm.s32 @!p2 $0x2;
	[sflag:s23] =	ssyncadd.s32 $0xFFFF8000  }
0x87: {  	[spmem:s4] =	stream.indirect.scatter.add.f32 @!p2 [tilespmem:s6], [sflag:$0x2], $0x10, s3, s0, $0xb8;
	[tilespmem:$0x1F580] =	vst v63  }
0x88: {  	_ =	swait.ge @!p2 [sflag:s7], $0x1000  }
0x89: {  	[sflag:s7] =	ssyncset.done @!p2 $0x0  }
0x8a: {  	[sflag:s7] =	ssyncadd.s32 @!p2 $0xFFFFF000  }
0x8b: {  	[tilespmem:s22], [sflag:$0x3] =	stream.linear.gather [hbm4b:s31+s5], $0x200, $0x38;
	[tilespmem:$0x1F580] =	vst v63  }
0x8c: {  	_ =	swait.ge [sflag:s23], $0x200  }
0x8d: {  	[sflag:s23] =	ssyncset.done $0x0  }
0x8e: {  	[sflag:s23] =	ssyncadd.s32 $0xFFFFFE00  }
0x8f: {  	v1 =	vld [tilespmem:$0x16390]  }
0x90: {  	v2 =	vld [tilespmem:$0x16470]  }
0x91: {  	v3 =	vld [tilespmem:$0x16430]  }
0x92: {  	v5 =	vld [tilespmem:$0x16420]  }
0x93: {  	v7 =	vld [tilespmem:$0x16410]  }
0x94: {  	v4 =	vld [tilespmem:$0x16450];
	v1 =	vshll.u32 v1, $0x1  }
0x95: {  	v6 =	vld [tilespmem:$0x16440];
	v2 =	vshll.u32 v2, $0x1;
	v1 =	vor.u32 v0, v1  }
0x96: {  	v8 =	vld [tilespmem:$0x163F0];
	v3 =	vshll.u32 v3, $0x1;
	v2 =	vor.u32 v0, v2;
	[tilespmem:$0x16390] =	vst v1  }
0x97: {  	v5 =	vshll.u32 v5, $0x1;
	v3 =	vor.u32 v0, v3;
	v1 =	vld [tilespmem:$0x16400];
	[tilespmem:$0x16470] =	vst v2  }
0x98: {  	v59 =	vld [tilespmem:$0x163D0];
	v7 =	vshll.u32 v7, $0x1;
	v5 =	vor.u32 v0, v5;
	[tilespmem:$0x16430] =	vst v3  }
0x99: {  	v4 =	vshll.u32 v4, $0x1;
	v7 =	vor.u32 v0, v7;
	v2 =	vld [tilespmem:$0x163E0];
	[tilespmem:$0x16420] =	vst v5  }
0x9a: {  	v60 =	vld [tilespmem:$0x163C0];
	v58 =	vshll.u32 v6, $0x1;
	v3 =	vor.u32 v0, v4;
	[tilespmem:$0x16410] =	vst v7  }
0x9b: {  	v61 =	vld [tilespmem:$0x163B0];
	v8 =	vshll.u32 v8, $0x1;
	[tilespmem:$0x16450] =	vst v3;
	v3 =	vor.u32 v0, v58  }
0x9c: {  	v8 =	vor.u32 v0, v8;
	[tilespmem:$0x16440] =	vst v3;
	v3 =	vld [tilespmem:$0x163A0];
	v1 =	vshll.u32 v1, $0x1  }
0x9d: {  	v62 =	vld [tilespmem:$0x16460];
	v6 =	vshll.u32 v59, $0x1;
	[tilespmem:$0x163F0] =	vst v8;
	v1 =	vor.u32 v0, v1  }
0x9e: {  	v6 =	vor.u32 v0, v6;
	v2 =	vshll.u32 v2, $0x1;
	[tilespmem:$0x16400] =	vst v1;
	v1 =	vld [tilespmem:$0x16380]  }
0x9f: {  	v4 =	vshll.u32 v60, $0x1;
	[tilespmem:$0x163D0] =	vst v6;
	v2 =	vor.u32 v0, v2  }
0xa0: {  	v4 =	vor.u32 v0, v4;
	[tilespmem:$0x163E0] =	vst v2;
	v2 =	vshll.u32 v61, $0x1  }
0xa1: {  	[tilespmem:$0x163C0] =	vst v4;
	v3 =	vshll.u32 v3, $0x1;
	v2 =	vor.u32 v0, v2  }
0xa2: {  	v63 =	vshll.u32 v62, $0x1;
	v3 =	vor.u32 v0, v3;
	[tilespmem:$0x163B0] =	vst v2  }
0xa3: {  	v2 =	vor.u32 v0, v63;
	[tilespmem:$0x163A0] =	vst v3;
	v1 =	vshll.u32 v1, $0x1  }
0xa4: {  	[tilespmem:$0x16460] =	vst v2;
	v1 =	vor.u32 v0, v1  }
0xa5: {  	[tilespmem:$0x16380] =	vst v1  }
0xa6: {  	[tilespmem:s19], [sflag:$0x1] =	stream.indirect.gather [hbm4b:s1+s24], $0x80, s22, s24, $0xb8;
	[tilespmem:$0x1F580] =	vst v63  }
0xa7: {  	_ =	swait.ge [sflag:s25], $0x8000  }
0xa8: {  	p1 =	slt.u32 s30, $0x14;
	s0 =	simm.s32 $0x1;
	[sflag:s25] =	ssyncset.done $0x0  }
0xa9: {  	s0 =	simm.s32 @!p1 $0x0;
	[sflag:s25] =	ssyncadd.s32 $0xFFFF8000  }
0xaa: {  	[spmem:s2] =	stream.indirect.scatter.add.f32 [tilespmem:s19], [sflag:$0x3], $0x80, s26, s24, $0xb8;
	[tilespmem:$0x1F580] =	vst v63  }
0xab: {  	p1 =	seq.s32 s0, s29;
	_ =	swait.ge [sflag:s23], $0x8000  }
0xac: {  	s0 =	simm.s32 @!p1 $0x100;
	s3 =	simm.s32 @!p1 $0x16480;
	[sflag:s23] =	ssyncset.done $0x0  }
0xad: {  	s6 =	simm.s32 @!p1 $0x1E580;
	s7 =	simm.s32 @!p1 $0x2;
	[sflag:s23] =	ssyncadd.s32 $0xFFFF8000  }
0xae: {  	[spmem:s4] =	stream.indirect.scatter.add.f32 @!p1 [tilespmem:s6], [sflag:$0x2], $0x10, s3, s0, $0xb8;
	[tilespmem:$0x1F580] =	vst v63  }
0xaf: {  	_ =	swait.ge @!p1 [sflag:s7], $0x1000  }
0xb0: {  	s29 =	stileid.u32;
	[sflag:s7] =	ssyncset.done @!p1 $0x0  }
0xb1: {  	s0 =	sshll.u32 s29, $0x6;
	[sflag:s7] =	ssyncadd.s32 @!p1 $0xFFFFF000  }
0xb2: {  	s30 =	sshrl.u32 s9, $0x3;
	s0 =	sor.u32 $0x1C02, s0;
	[bflag:$0x0] =	sbarrier.arrive $0xFFFF  }
0xb3: {  	[hbm:s15], [sflag:s0] =	dma.local [spmem:s30], $0x2780  }
0xb4: {  	s28 =	sadd.s32 $0x1, s28;
	_ =	swait.ge [sflag:s20], $0x2780  }
0xb5: {  	p1 =	sne.s32 s28, s17;
	[sflag:s20] =	ssyncset.done $0x0  }
.Ltmp1:
0xb6: {  	s31 =	sshrl.u32 s12, $0x3;
	[sflag:s20] =	ssyncadd.s32 $0xFFFFD880;
	(pc) =	sbr.rel @p1 .LBB2_1-.Ltmp1, $4  }
0xb7: {  	[hbm:s16], [sflag:s0] =	dma.local [spmem:s31], $0x4F0  }
0xb8: {  	_ =	swait.ge [sflag:s20], $0x4F0  }
0xb9: {  	[sflag:s20] =	ssyncset.done $0x0  }
0xba: {  	[sflag:s20] =	ssyncadd.s32 $0xFFFFFB10  }
0xbb: {  	_ =	sfence.sel $0x180000  }
0xbc: {  	[bflag:$0x0] =	sbarrier.arrive $0xFFFF  }
0xbd: {  	_ =	strace $0x90000047  }
0xbe: {  	s0 =	stileid.u32;
	[bflag:$0x2] =	sbarrier.arrive $0xFFFF  }
0xbf: {  	p0 =	sne.s32 s0, $0x0;
	s0 =	rddreg [dreg:$0x4]  }
0xc0: {  	s0 =	sadd.s32 @!p0 $0x100000, s0  }
0xc1: {  	[sflag:s0] =	ssyncadd.tile.s32 @!p0 $0x1;
	_ =	shalt  }
.Lfunc_end2:
_tile_overlayer_lowered:
.L_overlay_start_2:
0xc2: {  	(tag) =	ssettag $0x2  }
0xc3: {  	s0 =	rddreg [dreg:$0x0];
	s2 =	stileid.u32  }
0xc4: {  	s1 =	rddreg [dreg:$0x1];
	p0 =	sne.s32 s2, $0x0  }
0xc5: {  	s3 =	rddreg [dreg:$0x2];
	[bflag:$0x3] =	sbarrier.arrive $0xFFFF;
	s2 =	simm.s32 @!p0 $0x1C02  }
0xc6: {  	[timem:s3], [sflag:s2] =	dma.local @!p0 [hbm:s0], s1  }
0xc7: {  	s0 =	simm.s32 @!p0 $0x2  }
0xc8: {  	_ =	swait.ge @!p0 [sflag:s0], s1  }
0xc9: {  	s1 =	ssub.s32 @!p0 $0x0, s1;
	[sflag:s0] =	ssyncset.done @!p0 $0x0  }
0xca: {  	[sflag:s0] =	ssyncadd.s32 @!p0 s1  }
0xcb: {  	[bflag:$0x3] =	sbarrier.arrive $0xFFFF  }
0xcc: {  	_ =	shalt  }

</sc_bundles>
